<compile_context>
chip_gen: v7x
topology: tpu7x:2x2x1
jax: 0.10.2.dev20260603
libtpu: 0.0.44.dev20260713+nightly
codegen_flags: <defaults>
</compile_context>

<pallas_src>
import functools

import jax
import jax.numpy as jnp
from jax import lax
from jax.experimental import pallas as pl
from jax.experimental.pallas import tpu as pltpu
from jax.experimental.pallas import tpu_sc as plsc

VOCAB = 100000
DIM = 128
LABELS = 1000
B = 4096
L = 200
CHUNKS = ((0, 40), (40, 40), (80, 40), (120, 40), (160, 40))
NLANE = 16
NVEC = DIM // NLANE


def _pool_body(nb, idx_hbm, table_hbm, m_hbm, idx_v, buf0, buf1, out_v,
               sem0, sem1):
  info = plsc.get_sparse_core_info()
  nc = info.num_cores
  nw = nc * info.num_subcores
  bpw = nb // nw
  wid = lax.axis_index("s") * nc + lax.axis_index("c")
  base = wid * bpw

  pltpu.sync_copy(idx_hbm.at[pl.ds(base * L, bpw * L)], idx_v)

  def fire(s_local, buf, sem):
    for (off, ch) in CHUNKS:
      pltpu.async_copy(table_hbm.at[idx_v.at[pl.ds(s_local * L + off, ch)]],
                       buf.at[pl.ds(off, ch)], sem)

  def drain(buf, sem):
    for (off, ch) in CHUNKS:
      pltpu.make_async_copy(table_hbm.at[idx_v.at[pl.ds(off, ch)]],
                            buf.at[pl.ds(off, ch)], sem).wait()

  def accum(s_local, buf):
    def body(j, accs):
      return tuple(accs[c] + buf[j, pl.ds(c * NLANE, NLANE)]
                   for c in range(NVEC))
    accs = lax.fori_loop(
        0, L, body, tuple(jnp.zeros((NLANE,), jnp.float32)
                          for _ in range(NVEC)))
    scale = jnp.float32(1.0 / L)
    for c in range(NVEC):
      out_v[s_local, pl.ds(c * NLANE, NLANE)] = accs[c] * scale

  fire(0, buf0, sem0)

  def pair(k, carry):
    s0 = 2 * k
    fire(s0 + 1, buf1, sem1)
    drain(buf0, sem0)
    accum(s0, buf0)

    @pl.when(k < bpw // 2 - 1)
    def _():
      fire(s0 + 2, buf0, sem0)

    drain(buf1, sem1)
    accum(s0 + 1, buf1)
    return carry

  lax.fori_loop(0, bpw // 2, pair, 0)

  pltpu.sync_copy(out_v, m_hbm.at[pl.ds(base, bpw)])


def _sc_pool(idx, table, nb):
  info = plsc.get_sparse_core_info()
  bpw = nb // (info.num_cores * info.num_subcores)
  mesh = plsc.VectorSubcoreMesh(core_axis_name="c", subcore_axis_name="s")
  return pl.kernel(
      functools.partial(_pool_body, nb),
      out_type=jax.ShapeDtypeStruct((nb, DIM), jnp.float32),
      mesh=mesh,
      scratch_types=[
          pltpu.VMEM((bpw * L,), jnp.int32),
          pltpu.VMEM((L, DIM), jnp.float32),
          pltpu.VMEM((L, DIM), jnp.float32),
          pltpu.VMEM((bpw, DIM), jnp.float32),
          pltpu.SemaphoreType.DMA,
          pltpu.SemaphoreType.DMA,
      ],
  )(idx, table)


def _head_body(m_ref, w_ref, b_ref, tag_ref, prob_ref):
  logits = jnp.dot(m_ref[...], w_ref[...],
                   preferred_element_type=jnp.float32) + b_ref[...]
  mx = jnp.max(logits, axis=1, keepdims=True)
  denom = jnp.sum(jnp.exp(logits - mx), axis=1)
  prob_ref[0, 0, :] = 1.0 / denom
  ids = lax.broadcasted_iota(jnp.int32, logits.shape, 1)
  cand = jnp.where(logits == mx, ids, jnp.int32(LABELS))
  tag_ref[0, 0, :] = jnp.min(cand, axis=1)


def _tc_head(m, w, b2):
  rows = m.shape[0]
  grid = m.shape[0] // rows
  return pl.pallas_call(
      _head_body,
      grid=(grid,),
      in_specs=[
          pl.BlockSpec((rows, DIM), lambda i: (i, 0)),
          pl.BlockSpec((DIM, LABELS), lambda i: (0, 0)),
          pl.BlockSpec((1, LABELS), lambda i: (0, 0)),
      ],
      out_specs=[
          pl.BlockSpec((1, 1, rows), lambda i: (i, 0, 0)),
          pl.BlockSpec((1, 1, rows), lambda i: (i, 0, 0)),
      ],
      out_shape=[
          jax.ShapeDtypeStruct((grid, 1, rows), jnp.int32),
          jax.ShapeDtypeStruct((grid, 1, rows), jnp.float32),
      ],
  )(m, w, b2)


@jax.jit
def kernel(inputs, emb_table, W, b):
  idx = jnp.reshape(inputs.astype(jnp.int32), (B * L,))
  b2 = jnp.reshape(b, (1, LABELS))
  m = _sc_pool(idx, emb_table, B)
  tag, prob = _tc_head(m, W, b2)
  return (jnp.reshape(tag, (B,)), jnp.reshape(prob, (B,)))

# --- scband reference (transcript-rebuilt; emitter-appended) ---
"""Pipeline reference for scband-fasttext-model-12154757448398 (READ-ONLY COPY).

The authoritative reference and input builder live on the scoring server;
editing this copy changes nothing except your own understanding.
"""

import jax, jax.numpy as jnp
import numpy as np

VOCAB = 100000
DIM = 128
LABELS = 1000
B = 4096
L = 200

def setup_inputs(seed: int = 0) -> dict:
    key = jax.random.key(seed)
    k1, k2, k3, k4 = jax.random.split(key, 4)
    inputs = jax.random.randint(k1, (B, L), 0, VOCAB, dtype=jnp.int64 if jax.config.read('jax_enable_x64') else jnp.int32)
    emb_table = jax.random.normal(k2, (VOCAB, DIM), dtype=jnp.float32) * 0.05
    W = jax.random.normal(k3, (DIM, LABELS), dtype=jnp.float32) * (1.0 / np.sqrt(DIM))
    b = jnp.zeros((LABELS,), dtype=jnp.float32)
    return {"inputs": inputs, "emb_table": emb_table, "W": W, "b": b}

def reference(inputs, emb_table, W, b):
    # embedding lookup: gather rows of table
    m = jnp.take(emb_table, inputs, axis=0)          # [B, L, DIM]
    m = jnp.mean(m, axis=1)                           # [B, DIM]
    logits = jax.nn.softmax(jnp.dot(m, W) + b, axis=-1)  # [B, LABELS]
    # inference path (training=False): return tag and prob
    tag = jnp.argmax(logits, axis=-1)
    prob = jnp.max(logits, axis=-1)
    return (tag, prob)

if __name__ == "__main__":
    import jax
    _d = setup_inputs()
    print(jax.jit(kernel)(*tuple(_d.values())))

</pallas_src>

<mosaic_0001>
#map = affine_map<(d0, d1) -> (0)>
#map1 = affine_map<(d0, d1) -> (0, 0)>
module attributes {stable_mosaic.version = 14 : i64} {
  func.func @_pool_body(%arg0: i32, %arg1: i32, %arg2: memref<819200xi32, #tpu.memory_space<hbm>>, %arg3: memref<100000x128xf32, #tpu.memory_space<hbm>>, %arg4: memref<4096x128xf32, #tpu.memory_space<hbm>>, %arg5: memref<25600xi32, #tpu.memory_space<vmem>>, %arg6: memref<200x128xf32, #tpu.memory_space<vmem>>, %arg7: memref<200x128xf32, #tpu.memory_space<vmem>>, %arg8: memref<128x128xf32, #tpu.memory_space<vmem>>, %arg9: memref<!tpu.dma_semaphore, #tpu.memory_space<semaphore_mem>>, %arg10: memref<!tpu.dma_semaphore, #tpu.memory_space<semaphore_mem>>) attributes {dimension_semantics = [#tpu.dimension_semantics<core_parallel>, #tpu.dimension_semantics<subcore_parallel>], iteration_bounds = array<i64: 2, 16>, scalar_prefetch = 0 : i64, scratch_operands = 6 : i64, tpu.core_type = #tpu.core_type<sc_vector_subcore>, window_params = [{transform_indices = #map}, {transform_indices = #map1}, {transform_indices = #map1}]} {
    %mul3A = arith.constant 2 : i32
    %mul3A_0 = arith.muli %arg1, %mul3A : i32
    %add3A = arith.addi %mul3A_0, %arg0 : i32
    %mul3A_1 = arith.constant 128 : i32
    %mul3A_2 = arith.muli %add3A, %mul3A_1 : i32
    %mul3A_3 = arith.constant 200 : i32
    %mul3A_4 = arith.muli %mul3A_2, %mul3A_3 : i32
    "tpu.region"() ({
      %run_scoped3A = tpu.sem_alloc : memref<!tpu.dma_semaphore, #tpu.memory_space<semaphore_mem>>
      %dma_start3A_49 = tpu.memref_slice %arg2[%mul3A_4] : memref<819200xi32, #tpu.memory_space<hbm>> -> memref<25600xi32, #tpu.memory_space<hbm>>
      %dma_start3A_50 = tpu.memref_slice %arg2[%mul3A_4] : memref<819200xi32, #tpu.memory_space<hbm>> -> memref<25600xi32, #tpu.memory_space<hbm>>
      tpu.enqueue_dma source(%dma_start3A_50 : memref<25600xi32, #tpu.memory_space<hbm>>) target(%arg5 : memref<25600xi32, #tpu.memory_space<vmem>>) target_semaphore(%run_scoped3A : memref<!tpu.dma_semaphore, #tpu.memory_space<semaphore_mem>>)
      %dma_wait3A = tpu.memref_slice %arg2[%mul3A_4] : memref<819200xi32, #tpu.memory_space<hbm>> -> memref<25600xi32, #tpu.memory_space<hbm>>
      %dma_wait3A_51 = tpu.memref_slice %arg2[%mul3A_4] : memref<819200xi32, #tpu.memory_space<hbm>> -> memref<25600xi32, #tpu.memory_space<hbm>>
      tpu.wait_dma2 semaphore(%run_scoped3A : memref<!tpu.dma_semaphore, #tpu.memory_space<semaphore_mem>>) src(%dma_wait3A_51 : memref<25600xi32, #tpu.memory_space<hbm>>) dst(%arg5 : memref<25600xi32, #tpu.memory_space<vmem>>)
      tpu.yield
    }) : () -> ()
    %dma_start3A = arith.constant 0 : i32
    %dma_start3A_5 = arith.constant 0 : i32
    %dma_start3A_6 = tpu.memref_slice %arg6[%dma_start3A, %dma_start3A_5] : memref<200x128xf32, #tpu.memory_space<vmem>> -> memref<40x128xf32, #tpu.memory_space<vmem>>
    %dma_start3A_7 = arith.constant 0 : i32
    %dma_start3A_8 = tpu.memref_slice %arg5[%dma_start3A_7] : memref<25600xi32, #tpu.memory_space<vmem>> -> memref<40xi32, #tpu.memory_space<vmem>>
    %dma_start3A_9 = arith.constant 0 : i32
    %dma_start3A_10 = arith.constant 0 : i32
    %dma_start3A_11 = tpu.memref_slice %arg3[%dma_start3A_9, %dma_start3A_10] : memref<100000x128xf32, #tpu.memory_space<hbm>> -> memref<100000x128xf32, #tpu.memory_space<hbm>>
    tpu.enqueue_indirect_dma source(%dma_start3A_11 : memref<100000x128xf32, #tpu.memory_space<hbm>>) target(%dma_start3A_6 : memref<40x128xf32, #tpu.memory_space<vmem>>) offsets(%dma_start3A_8 : memref<40xi32, #tpu.memory_space<vmem>>) semaphore(%arg9 : memref<!tpu.dma_semaphore, #tpu.memory_space<semaphore_mem>>)
    %dma_start3A_12 = arith.constant 40 : i32
    %dma_start3A_13 = arith.constant 0 : i32
    %dma_start3A_14 = tpu.memref_slice %arg6[%dma_start3A_12, %dma_start3A_13] : memref<200x128xf32, #tpu.memory_space<vmem>> -> memref<40x128xf32, #tpu.memory_space<vmem>>
    %dma_start3A_15 = arith.constant 40 : i32
    %dma_start3A_16 = tpu.memref_slice %arg5[%dma_start3A_15] : memref<25600xi32, #tpu.memory_space<vmem>> -> memref<40xi32, #tpu.memory_space<vmem>>
    %dma_start3A_17 = arith.constant 0 : i32
    %dma_start3A_18 = arith.constant 0 : i32
    %dma_start3A_19 = tpu.memref_slice %arg3[%dma_start3A_17, %dma_start3A_18] : memref<100000x128xf32, #tpu.memory_space<hbm>> -> memref<100000x128xf32, #tpu.memory_space<hbm>>
    tpu.enqueue_indirect_dma source(%dma_start3A_19 : memref<100000x128xf32, #tpu.memory_space<hbm>>) target(%dma_start3A_14 : memref<40x128xf32, #tpu.memory_space<vmem>>) offsets(%dma_start3A_16 : memref<40xi32, #tpu.memory_space<vmem>>) semaphore(%arg9 : memref<!tpu.dma_semaphore, #tpu.memory_space<semaphore_mem>>)
    %dma_start3A_20 = arith.constant 80 : i32
    %dma_start3A_21 = arith.constant 0 : i32
    %dma_start3A_22 = tpu.memref_slice %arg6[%dma_start3A_20, %dma_start3A_21] : memref<200x128xf32, #tpu.memory_space<vmem>> -> memref<40x128xf32, #tpu.memory_space<vmem>>
    %dma_start3A_23 = arith.constant 80 : i32
    %dma_start3A_24 = tpu.memref_slice %arg5[%dma_start3A_23] : memref<25600xi32, #tpu.memory_space<vmem>> -> memref<40xi32, #tpu.memory_space<vmem>>
    %dma_start3A_25 = arith.constant 0 : i32
    %dma_start3A_26 = arith.constant 0 : i32
    %dma_start3A_27 = tpu.memref_slice %arg3[%dma_start3A_25, %dma_start3A_26] : memref<100000x128xf32, #tpu.memory_space<hbm>> -> memref<100000x128xf32, #tpu.memory_space<hbm>>
    tpu.enqueue_indirect_dma source(%dma_start3A_27 : memref<100000x128xf32, #tpu.memory_space<hbm>>) target(%dma_start3A_22 : memref<40x128xf32, #tpu.memory_space<vmem>>) offsets(%dma_start3A_24 : memref<40xi32, #tpu.memory_space<vmem>>) semaphore(%arg9 : memref<!tpu.dma_semaphore, #tpu.memory_space<semaphore_mem>>)
    %dma_start3A_28 = arith.constant 120 : i32
    %dma_start3A_29 = arith.constant 0 : i32
    %dma_start3A_30 = tpu.memref_slice %arg6[%dma_start3A_28, %dma_start3A_29] : memref<200x128xf32, #tpu.memory_space<vmem>> -> memref<40x128xf32, #tpu.memory_space<vmem>>
    %dma_start3A_31 = arith.constant 120 : i32
    %dma_start3A_32 = tpu.memref_slice %arg5[%dma_start3A_31] : memref<25600xi32, #tpu.memory_space<vmem>> -> memref<40xi32, #tpu.memory_space<vmem>>
    %dma_start3A_33 = arith.constant 0 : i32
    %dma_start3A_34 = arith.constant 0 : i32
    %dma_start3A_35 = tpu.memref_slice %arg3[%dma_start3A_33, %dma_start3A_34] : memref<100000x128xf32, #tpu.memory_space<hbm>> -> memref<100000x128xf32, #tpu.memory_space<hbm>>
    tpu.enqueue_indirect_dma source(%dma_start3A_35 : memref<100000x128xf32, #tpu.memory_space<hbm>>) target(%dma_start3A_30 : memref<40x128xf32, #tpu.memory_space<vmem>>) offsets(%dma_start3A_32 : memref<40xi32, #tpu.memory_space<vmem>>) semaphore(%arg9 : memref<!tpu.dma_semaphore, #tpu.memory_space<semaphore_mem>>)
    %dma_start3A_36 = arith.constant 160 : i32
    %dma_start3A_37 = arith.constant 0 : i32
    %dma_start3A_38 = tpu.memref_slice %arg6[%dma_start3A_36, %dma_start3A_37] : memref<200x128xf32, #tpu.memory_space<vmem>> -> memref<40x128xf32, #tpu.memory_space<vmem>>
    %dma_start3A_39 = arith.constant 160 : i32
    %dma_start3A_40 = tpu.memref_slice %arg5[%dma_start3A_39] : memref<25600xi32, #tpu.memory_space<vmem>> -> memref<40xi32, #tpu.memory_space<vmem>>
    %dma_start3A_41 = arith.constant 0 : i32
    %dma_start3A_42 = arith.constant 0 : i32
    %dma_start3A_43 = tpu.memref_slice %arg3[%dma_start3A_41, %dma_start3A_42] : memref<100000x128xf32, #tpu.memory_space<hbm>> -> memref<100000x128xf32, #tpu.memory_space<hbm>>
    tpu.enqueue_indirect_dma source(%dma_start3A_43 : memref<100000x128xf32, #tpu.memory_space<hbm>>) target(%dma_start3A_38 : memref<40x128xf32, #tpu.memory_space<vmem>>) offsets(%dma_start3A_40 : memref<40xi32, #tpu.memory_space<vmem>>) semaphore(%arg9 : memref<!tpu.dma_semaphore, #tpu.memory_space<semaphore_mem>>)
    %scan3A = arith.constant 0 : i32
    %scan3A_44 = arith.constant 0 : i32
    %scan3A_45 = arith.constant 64 : i32
    %scan3A_46 = arith.addi %scan3A_44, %scan3A_45 : i32
    %scan3A_47 = arith.constant 1 : i32
    scf.for %scan3A_49 = %scan3A_44 to %scan3A_46 step %scan3A_47  : i32 {
      %mul3A_50 = arith.constant 2 : i32
      %mul3A_51 = arith.muli %mul3A_50, %scan3A_49 : i32
      %add3A_52 = arith.constant 1 : i32
      %add3A_53 = arith.addi %mul3A_51, %add3A_52 : i32
      %mul3A_54 = arith.constant 200 : i32
      %mul3A_55 = arith.muli %add3A_53, %mul3A_54 : i32
      %add3A_56 = arith.constant 0 : i32
      %add3A_57 = arith.addi %mul3A_55, %add3A_56 : i32
      %dma_start3A_58 = arith.constant 0 : i32
      %dma_start3A_59 = arith.constant 0 : i32
      %dma_start3A_60 = tpu.memref_slice %arg7[%dma_start3A_58, %dma_start3A_59] : memref<200x128xf32, #tpu.memory_space<vmem>> -> memref<40x128xf32, #tpu.memory_space<vmem>>
      %dma_start3A_61 = tpu.memref_slice %arg5[%add3A_57] : memref<25600xi32, #tpu.memory_space<vmem>> -> memref<40xi32, #tpu.memory_space<vmem>>
      %dma_start3A_62 = arith.constant 0 : i32
      %dma_start3A_63 = arith.constant 0 : i32
      %dma_start3A_64 = tpu.memref_slice %arg3[%dma_start3A_62, %dma_start3A_63] : memref<100000x128xf32, #tpu.memory_space<hbm>> -> memref<100000x128xf32, #tpu.memory_space<hbm>>
      tpu.enqueue_indirect_dma source(%dma_start3A_64 : memref<100000x128xf32, #tpu.memory_space<hbm>>) target(%dma_start3A_60 : memref<40x128xf32, #tpu.memory_space<vmem>>) offsets(%dma_start3A_61 : memref<40xi32, #tpu.memory_space<vmem>>) semaphore(%arg10 : memref<!tpu.dma_semaphore, #tpu.memory_space<semaphore_mem>>)
      %mul3A_65 = arith.constant 200 : i32
      %mul3A_66 = arith.muli %add3A_53, %mul3A_65 : i32
      %add3A_67 = arith.constant 40 : i32
      %add3A_68 = arith.addi %mul3A_66, %add3A_67 : i32
      %dma_start3A_69 = arith.constant 40 : i32
      %dma_start3A_70 = arith.constant 0 : i32
      %dma_start3A_71 = tpu.memref_slice %arg7[%dma_start3A_69, %dma_start3A_70] : memref<200x128xf32, #tpu.memory_space<vmem>> -> memref<40x128xf32, #tpu.memory_space<vmem>>
      %dma_start3A_72 = tpu.memref_slice %arg5[%add3A_68] : memref<25600xi32, #tpu.memory_space<vmem>> -> memref<40xi32, #tpu.memory_space<vmem>>
      %dma_start3A_73 = arith.constant 0 : i32
      %dma_start3A_74 = arith.constant 0 : i32
      %dma_start3A_75 = tpu.memref_slice %arg3[%dma_start3A_73, %dma_start3A_74] : memref<100000x128xf32, #tpu.memory_space<hbm>> -> memref<100000x128xf32, #tpu.memory_space<hbm>>
      tpu.enqueue_indirect_dma source(%dma_start3A_75 : memref<100000x128xf32, #tpu.memory_space<hbm>>) target(%dma_start3A_71 : memref<40x128xf32, #tpu.memory_space<vmem>>) offsets(%dma_start3A_72 : memref<40xi32, #tpu.memory_space<vmem>>) semaphore(%arg10 : memref<!tpu.dma_semaphore, #tpu.memory_space<semaphore_mem>>)
      %mul3A_76 = arith.constant 200 : i32
      %mul3A_77 = arith.muli %add3A_53, %mul3A_76 : i32
      %add3A_78 = arith.constant 80 : i32
      %add3A_79 = arith.addi %mul3A_77, %add3A_78 : i32
      %dma_start3A_80 = arith.constant 80 : i32
      %dma_start3A_81 = arith.constant 0 : i32
      %dma_start3A_82 = tpu.memref_slice %arg7[%dma_start3A_80, %dma_start3A_81] : memref<200x128xf32, #tpu.memory_space<vmem>> -> memref<40x128xf32, #tpu.memory_space<vmem>>
      %dma_start3A_83 = tpu.memref_slice %arg5[%add3A_79] : memref<25600xi32, #tpu.memory_space<vmem>> -> memref<40xi32, #tpu.memory_space<vmem>>
      %dma_start3A_84 = arith.constant 0 : i32
      %dma_start3A_85 = arith.constant 0 : i32
      %dma_start3A_86 = tpu.memref_slice %arg3[%dma_start3A_84, %dma_start3A_85] : memref<100000x128xf32, #tpu.memory_space<hbm>> -> memref<100000x128xf32, #tpu.memory_space<hbm>>
      tpu.enqueue_indirect_dma source(%dma_start3A_86 : memref<100000x128xf32, #tpu.memory_space<hbm>>) target(%dma_start3A_82 : memref<40x128xf32, #tpu.memory_space<vmem>>) offsets(%dma_start3A_83 : memref<40xi32, #tpu.memory_space<vmem>>) semaphore(%arg10 : memref<!tpu.dma_semaphore, #tpu.memory_space<semaphore_mem>>)
      %mul3A_87 = arith.constant 200 : i32
      %mul3A_88 = arith.muli %add3A_53, %mul3A_87 : i32
      %add3A_89 = arith.constant 120 : i32
      %add3A_90 = arith.addi %mul3A_88, %add3A_89 : i32
      %dma_start3A_91 = arith.constant 120 : i32
      %dma_start3A_92 = arith.constant 0 : i32
      %dma_start3A_93 = tpu.memref_slice %arg7[%dma_start3A_91, %dma_start3A_92] : memref<200x128xf32, #tpu.memory_space<vmem>> -> memref<40x128xf32, #tpu.memory_space<vmem>>
      %dma_start3A_94 = tpu.memref_slice %arg5[%add3A_90] : memref<25600xi32, #tpu.memory_space<vmem>> -> memref<40xi32, #tpu.memory_space<vmem>>
      %dma_start3A_95 = arith.constant 0 : i32
      %dma_start3A_96 = arith.constant 0 : i32
      %dma_start3A_97 = tpu.memref_slice %arg3[%dma_start3A_95, %dma_start3A_96] : memref<100000x128xf32, #tpu.memory_space<hbm>> -> memref<100000x128xf32, #tpu.memory_space<hbm>>
      tpu.enqueue_indirect_dma source(%dma_start3A_97 : memref<100000x128xf32, #tpu.memory_space<hbm>>) target(%dma_start3A_93 : memref<40x128xf32, #tpu.memory_space<vmem>>) offsets(%dma_start3A_94 : memref<40xi32, #tpu.memory_space<vmem>>) semaphore(%arg10 : memref<!tpu.dma_semaphore, #tpu.memory_space<semaphore_mem>>)
      %mul3A_98 = arith.constant 200 : i32
      %mul3A_99 = arith.muli %add3A_53, %mul3A_98 : i32
      %add3A_100 = arith.constant 160 : i32
      %add3A_101 = arith.addi %mul3A_99, %add3A_100 : i32
      %dma_start3A_102 = arith.constant 160 : i32
      %dma_start3A_103 = arith.constant 0 : i32
      %dma_start3A_104 = tpu.memref_slice %arg7[%dma_start3A_102, %dma_start3A_103] : memref<200x128xf32, #tpu.memory_space<vmem>> -> memref<40x128xf32, #tpu.memory_space<vmem>>
      %dma_start3A_105 = tpu.memref_slice %arg5[%add3A_101] : memref<25600xi32, #tpu.memory_space<vmem>> -> memref<40xi32, #tpu.memory_space<vmem>>
      %dma_start3A_106 = arith.constant 0 : i32
      %dma_start3A_107 = arith.constant 0 : i32
      %dma_start3A_108 = tpu.memref_slice %arg3[%dma_start3A_106, %dma_start3A_107] : memref<100000x128xf32, #tpu.memory_space<hbm>> -> memref<100000x128xf32, #tpu.memory_space<hbm>>
      tpu.enqueue_indirect_dma source(%dma_start3A_108 : memref<100000x128xf32, #tpu.memory_space<hbm>>) target(%dma_start3A_104 : memref<40x128xf32, #tpu.memory_space<vmem>>) offsets(%dma_start3A_105 : memref<40xi32, #tpu.memory_space<vmem>>) semaphore(%arg10 : memref<!tpu.dma_semaphore, #tpu.memory_space<semaphore_mem>>)
      %dma_wait3A = arith.constant 0 : i32
      %dma_wait3A_109 = arith.constant 0 : i32
      %dma_wait3A_110 = tpu.memref_slice %arg6[%dma_wait3A, %dma_wait3A_109] : memref<200x128xf32, #tpu.memory_space<vmem>> -> memref<40x128xf32, #tpu.memory_space<vmem>>
      %dma_wait3A_111 = arith.constant 0 : i32
      %dma_wait3A_112 = tpu.memref_slice %arg5[%dma_wait3A_111] : memref<25600xi32, #tpu.memory_space<vmem>> -> memref<40xi32, #tpu.memory_space<vmem>>
      %dma_wait3A_113 = arith.constant 0 : i32
      %dma_wait3A_114 = arith.constant 0 : i32
      %dma_wait3A_115 = tpu.memref_slice %arg3[%dma_wait3A_113, %dma_wait3A_114] : memref<100000x128xf32, #tpu.memory_space<hbm>> -> memref<100000x128xf32, #tpu.memory_space<hbm>>
      tpu.wait_indirect_dma semaphore(%arg9 : memref<!tpu.dma_semaphore, #tpu.memory_space<semaphore_mem>>) src(%dma_wait3A_115 : memref<100000x128xf32, #tpu.memory_space<hbm>>) dst(%dma_wait3A_110 : memref<40x128xf32, #tpu.memory_space<vmem>>)
      %dma_wait3A_116 = arith.constant 40 : i32
      %dma_wait3A_117 = arith.constant 0 : i32
      %dma_wait3A_118 = tpu.memref_slice %arg6[%dma_wait3A_116, %dma_wait3A_117] : memref<200x128xf32, #tpu.memory_space<vmem>> -> memref<40x128xf32, #tpu.memory_space<vmem>>
      %dma_wait3A_119 = arith.constant 40 : i32
      %dma_wait3A_120 = tpu.memref_slice %arg5[%dma_wait3A_119] : memref<25600xi32, #tpu.memory_space<vmem>> -> memref<40xi32, #tpu.memory_space<vmem>>
      %dma_wait3A_121 = arith.constant 0 : i32
      %dma_wait3A_122 = arith.constant 0 : i32
      %dma_wait3A_123 = tpu.memref_slice %arg3[%dma_wait3A_121, %dma_wait3A_122] : memref<100000x128xf32, #tpu.memory_space<hbm>> -> memref<100000x128xf32, #tpu.memory_space<hbm>>
      tpu.wait_indirect_dma semaphore(%arg9 : memref<!tpu.dma_semaphore, #tpu.memory_space<semaphore_mem>>) src(%dma_wait3A_123 : memref<100000x128xf32, #tpu.memory_space<hbm>>) dst(%dma_wait3A_118 : memref<40x128xf32, #tpu.memory_space<vmem>>)
      %dma_wait3A_124 = arith.constant 80 : i32
      %dma_wait3A_125 = arith.constant 0 : i32
      %dma_wait3A_126 = tpu.memref_slice %arg6[%dma_wait3A_124, %dma_wait3A_125] : memref<200x128xf32, #tpu.memory_space<vmem>> -> memref<40x128xf32, #tpu.memory_space<vmem>>
      %dma_wait3A_127 = arith.constant 80 : i32
      %dma_wait3A_128 = tpu.memref_slice %arg5[%dma_wait3A_127] : memref<25600xi32, #tpu.memory_space<vmem>> -> memref<40xi32, #tpu.memory_space<vmem>>
      %dma_wait3A_129 = arith.constant 0 : i32
      %dma_wait3A_130 = arith.constant 0 : i32
      %dma_wait3A_131 = tpu.memref_slice %arg3[%dma_wait3A_129, %dma_wait3A_130] : memref<100000x128xf32, #tpu.memory_space<hbm>> -> memref<100000x128xf32, #tpu.memory_space<hbm>>
      tpu.wait_indirect_dma semaphore(%arg9 : memref<!tpu.dma_semaphore, #tpu.memory_space<semaphore_mem>>) src(%dma_wait3A_131 : memref<100000x128xf32, #tpu.memory_space<hbm>>) dst(%dma_wait3A_126 : memref<40x128xf32, #tpu.memory_space<vmem>>)
      %dma_wait3A_132 = arith.constant 120 : i32
      %dma_wait3A_133 = arith.constant 0 : i32
      %dma_wait3A_134 = tpu.memref_slice %arg6[%dma_wait3A_132, %dma_wait3A_133] : memref<200x128xf32, #tpu.memory_space<vmem>> -> memref<40x128xf32, #tpu.memory_space<vmem>>
      %dma_wait3A_135 = arith.constant 120 : i32
      %dma_wait3A_136 = tpu.memref_slice %arg5[%dma_wait3A_135] : memref<25600xi32, #tpu.memory_space<vmem>> -> memref<40xi32, #tpu.memory_space<vmem>>
      %dma_wait3A_137 = arith.constant 0 : i32
      %dma_wait3A_138 = arith.constant 0 : i32
      %dma_wait3A_139 = tpu.memref_slice %arg3[%dma_wait3A_137, %dma_wait3A_138] : memref<100000x128xf32, #tpu.memory_space<hbm>> -> memref<100000x128xf32, #tpu.memory_space<hbm>>
      tpu.wait_indirect_dma semaphore(%arg9 : memref<!tpu.dma_semaphore, #tpu.memory_space<semaphore_mem>>) src(%dma_wait3A_139 : memref<100000x128xf32, #tpu.memory_space<hbm>>) dst(%dma_wait3A_134 : memref<40x128xf32, #tpu.memory_space<vmem>>)
      %dma_wait3A_140 = arith.constant 160 : i32
      %dma_wait3A_141 = arith.constant 0 : i32
      %dma_wait3A_142 = tpu.memref_slice %arg6[%dma_wait3A_140, %dma_wait3A_141] : memref<200x128xf32, #tpu.memory_space<vmem>> -> memref<40x128xf32, #tpu.memory_space<vmem>>
      %dma_wait3A_143 = arith.constant 160 : i32
      %dma_wait3A_144 = tpu.memref_slice %arg5[%dma_wait3A_143] : memref<25600xi32, #tpu.memory_space<vmem>> -> memref<40xi32, #tpu.memory_space<vmem>>
      %dma_wait3A_145 = arith.constant 0 : i32
      %dma_wait3A_146 = arith.constant 0 : i32
      %dma_wait3A_147 = tpu.memref_slice %arg3[%dma_wait3A_145, %dma_wait3A_146] : memref<100000x128xf32, #tpu.memory_space<hbm>> -> memref<100000x128xf32, #tpu.memory_space<hbm>>
      tpu.wait_indirect_dma semaphore(%arg9 : memref<!tpu.dma_semaphore, #tpu.memory_space<semaphore_mem>>) src(%dma_wait3A_147 : memref<100000x128xf32, #tpu.memory_space<hbm>>) dst(%dma_wait3A_142 : memref<40x128xf32, #tpu.memory_space<vmem>>)
      %broadcast_in_dim3A = arith.constant 0.000000e+00 : f32
      %broadcast_in_dim3A_148 = vector.broadcast %broadcast_in_dim3A : f32 to vector<16xf32>
      %broadcast_in_dim3A_149 = arith.constant 0.000000e+00 : f32
      %broadcast_in_dim3A_150 = vector.broadcast %broadcast_in_dim3A_149 : f32 to vector<16xf32>
      %broadcast_in_dim3A_151 = arith.constant 0.000000e+00 : f32
      %broadcast_in_dim3A_152 = vector.broadcast %broadcast_in_dim3A_151 : f32 to vector<16xf32>
      %broadcast_in_dim3A_153 = arith.constant 0.000000e+00 : f32
      %broadcast_in_dim3A_154 = vector.broadcast %broadcast_in_dim3A_153 : f32 to vector<16xf32>
      %broadcast_in_dim3A_155 = arith.constant 0.000000e+00 : f32
      %broadcast_in_dim3A_156 = vector.broadcast %broadcast_in_dim3A_155 : f32 to vector<16xf32>
      %broadcast_in_dim3A_157 = arith.constant 0.000000e+00 : f32
      %broadcast_in_dim3A_158 = vector.broadcast %broadcast_in_dim3A_157 : f32 to vector<16xf32>
      %broadcast_in_dim3A_159 = arith.constant 0.000000e+00 : f32
      %broadcast_in_dim3A_160 = vector.broadcast %broadcast_in_dim3A_159 : f32 to vector<16xf32>
      %broadcast_in_dim3A_161 = arith.constant 0.000000e+00 : f32
      %broadcast_in_dim3A_162 = vector.broadcast %broadcast_in_dim3A_161 : f32 to vector<16xf32>
      %scan3A_163 = arith.constant 0 : i32
      %scan3A_164 = arith.constant 200 : i32
      %scan3A_165 = arith.addi %scan3A_163, %scan3A_164 : i32
      %scan3A_166 = arith.constant 1 : i32
      %scan3A_167:8 = scf.for %scan3A_362 = %scan3A_163 to %scan3A_165 step %scan3A_166 iter_args(%scan3A_363 = %broadcast_in_dim3A_148, %scan3A_364 = %broadcast_in_dim3A_150, %scan3A_365 = %broadcast_in_dim3A_152, %scan3A_366 = %broadcast_in_dim3A_154, %scan3A_367 = %broadcast_in_dim3A_156, %scan3A_368 = %broadcast_in_dim3A_158, %scan3A_369 = %broadcast_in_dim3A_160, %scan3A_370 = %broadcast_in_dim3A_162) -> (vector<16xf32>, vector<16xf32>, vector<16xf32>, vector<16xf32>, vector<16xf32>, vector<16xf32>, vector<16xf32>, vector<16xf32>)  : i32 {
        %get3A = arith.index_cast %scan3A_362 : i32 to index
        %get3A_371 = arith.constant 0 : index
        %get3A_372 = tpu.vector_load %arg6[%get3A, %get3A_371] {strides = array<i32>} : memref<200x128xf32, #tpu.memory_space<vmem>>, vector<1x16xf32>,
        %get3A_373 = vector.shape_cast %get3A_372 : vector<1x16xf32> to vector<16xf32>
        %add3A_374 = arith.addf %scan3A_363, %get3A_373 : vector<16xf32>
        %get3A_375 = arith.index_cast %scan3A_362 : i32 to index
        %get3A_376 = arith.constant 16 : index
        %get3A_377 = tpu.vector_load %arg6[%get3A_375, %get3A_376] {strides = array<i32>} : memref<200x128xf32, #tpu.memory_space<vmem>>, vector<1x16xf32>,
        %get3A_378 = vector.shape_cast %get3A_377 : vector<1x16xf32> to vector<16xf32>
        %add3A_379 = arith.addf %scan3A_364, %get3A_378 : vector<16xf32>
        %get3A_380 = arith.index_cast %scan3A_362 : i32 to index
        %get3A_381 = arith.constant 32 : index
        %get3A_382 = tpu.vector_load %arg6[%get3A_380, %get3A_381] {strides = array<i32>} : memref<200x128xf32, #tpu.memory_space<vmem>>, vector<1x16xf32>,
        %get3A_383 = vector.shape_cast %get3A_382 : vector<1x16xf32> to vector<16xf32>
        %add3A_384 = arith.addf %scan3A_365, %get3A_383 : vector<16xf32>
        %get3A_385 = arith.index_cast %scan3A_362 : i32 to index
        %get3A_386 = arith.constant 48 : index
        %get3A_387 = tpu.vector_load %arg6[%get3A_385, %get3A_386] {strides = array<i32>} : memref<200x128xf32, #tpu.memory_space<vmem>>, vector<1x16xf32>,
        %get3A_388 = vector.shape_cast %get3A_387 : vector<1x16xf32> to vector<16xf32>
        %add3A_389 = arith.addf %scan3A_366, %get3A_388 : vector<16xf32>
        %get3A_390 = arith.index_cast %scan3A_362 : i32 to index
        %get3A_391 = arith.constant 64 : index
        %get3A_392 = tpu.vector_load %arg6[%get3A_390, %get3A_391] {strides = array<i32>} : memref<200x128xf32, #tpu.memory_space<vmem>>, vector<1x16xf32>,
        %get3A_393 = vector.shape_cast %get3A_392 : vector<1x16xf32> to vector<16xf32>
        %add3A_394 = arith.addf %scan3A_367, %get3A_393 : vector<16xf32>
        %get3A_395 = arith.index_cast %scan3A_362 : i32 to index
        %get3A_396 = arith.constant 80 : index
        %get3A_397 = tpu.vector_load %arg6[%get3A_395, %get3A_396] {strides = array<i32>} : memref<200x128xf32, #tpu.memory_space<vmem>>, vector<1x16xf32>,
        %get3A_398 = vector.shape_cast %get3A_397 : vector<1x16xf32> to vector<16xf32>
        %add3A_399 = arith.addf %scan3A_368, %get3A_398 : vector<16xf32>
        %get3A_400 = arith.index_cast %scan3A_362 : i32 to index
        %get3A_401 = arith.constant 96 : index
        %get3A_402 = tpu.vector_load %arg6[%get3A_400, %get3A_401] {strides = array<i32>} : memref<200x128xf32, #tpu.memory_space<vmem>>, vector<1x16xf32>,
        %get3A_403 = vector.shape_cast %get3A_402 : vector<1x16xf32> to vector<16xf32>
        %add3A_404 = arith.addf %scan3A_369, %get3A_403 : vector<16xf32>
        %get3A_405 = arith.index_cast %scan3A_362 : i32 to index
        %get3A_406 = arith.constant 112 : index
        %get3A_407 = tpu.vector_load %arg6[%get3A_405, %get3A_406] {strides = array<i32>} : memref<200x128xf32, #tpu.memory_space<vmem>>, vector<1x16xf32>,
        %get3A_408 = vector.shape_cast %get3A_407 : vector<1x16xf32> to vector<16xf32>
        %add3A_409 = arith.addf %scan3A_370, %get3A_408 : vector<16xf32>
        scf.yield %add3A_374, %add3A_379, %add3A_384, %add3A_389, %add3A_394, %add3A_399, %add3A_404, %add3A_409 : vector<16xf32>, vector<16xf32>, vector<16xf32>, vector<16xf32>, vector<16xf32>, vector<16xf32>, vector<16xf32>, vector<16xf32>
      }
      %scan3A_168 = arith.constant 200 : i32
      %mul3A_169 = arith.constant 5.000000e-03 : f32
      %mul3A_170 = vector.broadcast %mul3A_169 : f32 to vector<16xf32>
      %mul3A_171 = arith.mulf %scan3A_167#0, %mul3A_170 : vector<16xf32>
      %swap3A = arith.index_cast %mul3A_51 : i32 to index
      %swap3A_172 = arith.constant 0 : index
      %swap3A_173 = tpu.vector_load %arg8[%swap3A, %swap3A_172] {strides = array<i32>} : memref<128x128xf32, #tpu.memory_space<vmem>>, vector<1x16xf32>,
      %swap3A_174 = vector.shape_cast %swap3A_173 : vector<1x16xf32> to vector<16xf32>
      %swap3A_175 = vector.shape_cast %mul3A_171 : vector<16xf32> to vector<1x16xf32>
      tpu.vector_store %arg8[%swap3A, %swap3A_172], %swap3A_175 {strides = array<i32>} : memref<128x128xf32, #tpu.memory_space<vmem>>, vector<1x16xf32>,
      %mul3A_176 = arith.constant 5.000000e-03 : f32
      %mul3A_177 = vector.broadcast %mul3A_176 : f32 to vector<16xf32>
      %mul3A_178 = arith.mulf %scan3A_167#1, %mul3A_177 : vector<16xf32>
      %swap3A_179 = arith.index_cast %mul3A_51 : i32 to index
      %swap3A_180 = arith.constant 16 : index
      %swap3A_181 = tpu.vector_load %arg8[%swap3A_179, %swap3A_180] {strides = array<i32>} : memref<128x128xf32, #tpu.memory_space<vmem>>, vector<1x16xf32>,
      %swap3A_182 = vector.shape_cast %swap3A_181 : vector<1x16xf32> to vector<16xf32>
      %swap3A_183 = vector.shape_cast %mul3A_178 : vector<16xf32> to vector<1x16xf32>
      tpu.vector_store %arg8[%swap3A_179, %swap3A_180], %swap3A_183 {strides = array<i32>} : memref<128x128xf32, #tpu.memory_space<vmem>>, vector<1x16xf32>,
      %mul3A_184 = arith.constant 5.000000e-03 : f32
      %mul3A_185 = vector.broadcast %mul3A_184 : f32 to vector<16xf32>
      %mul3A_186 = arith.mulf %scan3A_167#2, %mul3A_185 : vector<16xf32>
      %swap3A_187 = arith.index_cast %mul3A_51 : i32 to index
      %swap3A_188 = arith.constant 32 : index
      %swap3A_189 = tpu.vector_load %arg8[%swap3A_187, %swap3A_188] {strides = array<i32>} : memref<128x128xf32, #tpu.memory_space<vmem>>, vector<1x16xf32>,
      %swap3A_190 = vector.shape_cast %swap3A_189 : vector<1x16xf32> to vector<16xf32>
      %swap3A_191 = vector.shape_cast %mul3A_186 : vector<16xf32> to vector<1x16xf32>
      tpu.vector_store %arg8[%swap3A_187, %swap3A_188], %swap3A_191 {strides = array<i32>} : memref<128x128xf32, #tpu.memory_space<vmem>>, vector<1x16xf32>,
      %mul3A_192 = arith.constant 5.000000e-03 : f32
      %mul3A_193 = vector.broadcast %mul3A_192 : f32 to vector<16xf32>
      %mul3A_194 = arith.mulf %scan3A_167#3, %mul3A_193 : vector<16xf32>
      %swap3A_195 = arith.index_cast %mul3A_51 : i32 to index
      %swap3A_196 = arith.constant 48 : index
      %swap3A_197 = tpu.vector_load %arg8[%swap3A_195, %swap3A_196] {strides = array<i32>} : memref<128x128xf32, #tpu.memory_space<vmem>>, vector<1x16xf32>,
      %swap3A_198 = vector.shape_cast %swap3A_197 : vector<1x16xf32> to vector<16xf32>
      %swap3A_199 = vector.shape_cast %mul3A_194 : vector<16xf32> to vector<1x16xf32>
      tpu.vector_store %arg8[%swap3A_195, %swap3A_196], %swap3A_199 {strides = array<i32>} : memref<128x128xf32, #tpu.memory_space<vmem>>, vector<1x16xf32>,
      %mul3A_200 = arith.constant 5.000000e-03 : f32
      %mul3A_201 = vector.broadcast %mul3A_200 : f32 to vector<16xf32>
      %mul3A_202 = arith.mulf %scan3A_167#4, %mul3A_201 : vector<16xf32>
      %swap3A_203 = arith.index_cast %mul3A_51 : i32 to index
      %swap3A_204 = arith.constant 64 : index
      %swap3A_205 = tpu.vector_load %arg8[%swap3A_203, %swap3A_204] {strides = array<i32>} : memref<128x128xf32, #tpu.memory_space<vmem>>, vector<1x16xf32>,
      %swap3A_206 = vector.shape_cast %swap3A_205 : vector<1x16xf32> to vector<16xf32>
      %swap3A_207 = vector.shape_cast %mul3A_202 : vector<16xf32> to vector<1x16xf32>
      tpu.vector_store %arg8[%swap3A_203, %swap3A_204], %swap3A_207 {strides = array<i32>} : memref<128x128xf32, #tpu.memory_space<vmem>>, vector<1x16xf32>,
      %mul3A_208 = arith.constant 5.000000e-03 : f32
      %mul3A_209 = vector.broadcast %mul3A_208 : f32 to vector<16xf32>
      %mul3A_210 = arith.mulf %scan3A_167#5, %mul3A_209 : vector<16xf32>
      %swap3A_211 = arith.index_cast %mul3A_51 : i32 to index
      %swap3A_212 = arith.constant 80 : index
      %swap3A_213 = tpu.vector_load %arg8[%swap3A_211, %swap3A_212] {strides = array<i32>} : memref<128x128xf32, #tpu.memory_space<vmem>>, vector<1x16xf32>,
      %swap3A_214 = vector.shape_cast %swap3A_213 : vector<1x16xf32> to vector<16xf32>
      %swap3A_215 = vector.shape_cast %mul3A_210 : vector<16xf32> to vector<1x16xf32>
      tpu.vector_store %arg8[%swap3A_211, %swap3A_212], %swap3A_215 {strides = array<i32>} : memref<128x128xf32, #tpu.memory_space<vmem>>, vector<1x16xf32>,
      %mul3A_216 = arith.constant 5.000000e-03 : f32
      %mul3A_217 = vector.broadcast %mul3A_216 : f32 to vector<16xf32>
      %mul3A_218 = arith.mulf %scan3A_167#6, %mul3A_217 : vector<16xf32>
      %swap3A_219 = arith.index_cast %mul3A_51 : i32 to index
      %swap3A_220 = arith.constant 96 : index
      %swap3A_221 = tpu.vector_load %arg8[%swap3A_219, %swap3A_220] {strides = array<i32>} : memref<128x128xf32, #tpu.memory_space<vmem>>, vector<1x16xf32>,
      %swap3A_222 = vector.shape_cast %swap3A_221 : vector<1x16xf32> to vector<16xf32>
      %swap3A_223 = vector.shape_cast %mul3A_218 : vector<16xf32> to vector<1x16xf32>
      tpu.vector_store %arg8[%swap3A_219, %swap3A_220], %swap3A_223 {strides = array<i32>} : memref<128x128xf32, #tpu.memory_space<vmem>>, vector<1x16xf32>,
      %mul3A_224 = arith.constant 5.000000e-03 : f32
      %mul3A_225 = vector.broadcast %mul3A_224 : f32 to vector<16xf32>
      %mul3A_226 = arith.mulf %scan3A_167#7, %mul3A_225 : vector<16xf32>
      %swap3A_227 = arith.index_cast %mul3A_51 : i32 to index
      %swap3A_228 = arith.constant 112 : index
      %swap3A_229 = tpu.vector_load %arg8[%swap3A_227, %swap3A_228] {strides = array<i32>} : memref<128x128xf32, #tpu.memory_space<vmem>>, vector<1x16xf32>,
      %swap3A_230 = vector.shape_cast %swap3A_229 : vector<1x16xf32> to vector<16xf32>
      %swap3A_231 = vector.shape_cast %mul3A_226 : vector<16xf32> to vector<1x16xf32>
      tpu.vector_store %arg8[%swap3A_227, %swap3A_228], %swap3A_231 {strides = array<i32>} : memref<128x128xf32, #tpu.memory_space<vmem>>, vector<1x16xf32>,
      %lt3A = arith.constant 63 : i32
      %lt3A_232 = arith.cmpi slt, %scan3A_49, %lt3A : i32
      %convert_element_type3A = arith.extui %lt3A_232 : i1 to i32
      %cond3A = arith.constant 0 : i32
      %cond3A_233 = arith.cmpi ne, %convert_element_type3A, %cond3A : i32
      scf.if %cond3A_233 {
        %add3A_362 = arith.constant 2 : i32
        %add3A_363 = arith.addi %mul3A_51, %add3A_362 : i32
        %mul3A_364 = arith.constant 200 : i32
        %mul3A_365 = arith.muli %add3A_363, %mul3A_364 : i32
        %add3A_366 = arith.constant 0 : i32
        %add3A_367 = arith.addi %mul3A_365, %add3A_366 : i32
        %dma_start3A_368 = arith.constant 0 : i32
        %dma_start3A_369 = arith.constant 0 : i32
        %dma_start3A_370 = tpu.memref_slice %arg6[%dma_start3A_368, %dma_start3A_369] : memref<200x128xf32, #tpu.memory_space<vmem>> -> memref<40x128xf32, #tpu.memory_space<vmem>>
        %dma_start3A_371 = tpu.memref_slice %arg5[%add3A_367] : memref<25600xi32, #tpu.memory_space<vmem>> -> memref<40xi32, #tpu.memory_space<vmem>>
        %dma_start3A_372 = arith.constant 0 : i32
        %dma_start3A_373 = arith.constant 0 : i32
        %dma_start3A_374 = tpu.memref_slice %arg3[%dma_start3A_372, %dma_start3A_373] : memref<100000x128xf32, #tpu.memory_space<hbm>> -> memref<100000x128xf32, #tpu.memory_space<hbm>>
        tpu.enqueue_indirect_dma source(%dma_start3A_374 : memref<100000x128xf32, #tpu.memory_space<hbm>>) target(%dma_start3A_370 : memref<40x128xf32, #tpu.memory_space<vmem>>) offsets(%dma_start3A_371 : memref<40xi32, #tpu.memory_space<vmem>>) semaphore(%arg9 : memref<!tpu.dma_semaphore, #tpu.memory_space<semaphore_mem>>)
        %mul3A_375 = arith.constant 200 : i32
        %mul3A_376 = arith.muli %add3A_363, %mul3A_375 : i32
        %add3A_377 = arith.constant 40 : i32
        %add3A_378 = arith.addi %mul3A_376, %add3A_377 : i32
        %dma_start3A_379 = arith.constant 40 : i32
        %dma_start3A_380 = arith.constant 0 : i32
        %dma_start3A_381 = tpu.memref_slice %arg6[%dma_start3A_379, %dma_start3A_380] : memref<200x128xf32, #tpu.memory_space<vmem>> -> memref<40x128xf32, #tpu.memory_space<vmem>>
        %dma_start3A_382 = tpu.memref_slice %arg5[%add3A_378] : memref<25600xi32, #tpu.memory_space<vmem>> -> memref<40xi32, #tpu.memory_space<vmem>>
        %dma_start3A_383 = arith.constant 0 : i32
        %dma_start3A_384 = arith.constant 0 : i32
        %dma_start3A_385 = tpu.memref_slice %arg3[%dma_start3A_383, %dma_start3A_384] : memref<100000x128xf32, #tpu.memory_space<hbm>> -> memref<100000x128xf32, #tpu.memory_space<hbm>>
        tpu.enqueue_indirect_dma source(%dma_start3A_385 : memref<100000x128xf32, #tpu.memory_space<hbm>>) target(%dma_start3A_381 : memref<40x128xf32, #tpu.memory_space<vmem>>) offsets(%dma_start3A_382 : memref<40xi32, #tpu.memory_space<vmem>>) semaphore(%arg9 : memref<!tpu.dma_semaphore, #tpu.memory_space<semaphore_mem>>)
        %mul3A_386 = arith.constant 200 : i32
        %mul3A_387 = arith.muli %add3A_363, %mul3A_386 : i32
        %add3A_388 = arith.constant 80 : i32
        %add3A_389 = arith.addi %mul3A_387, %add3A_388 : i32
        %dma_start3A_390 = arith.constant 80 : i32
        %dma_start3A_391 = arith.constant 0 : i32
        %dma_start3A_392 = tpu.memref_slice %arg6[%dma_start3A_390, %dma_start3A_391] : memref<200x128xf32, #tpu.memory_space<vmem>> -> memref<40x128xf32, #tpu.memory_space<vmem>>
        %dma_start3A_393 = tpu.memref_slice %arg5[%add3A_389] : memref<25600xi32, #tpu.memory_space<vmem>> -> memref<40xi32, #tpu.memory_space<vmem>>
        %dma_start3A_394 = arith.constant 0 : i32
        %dma_start3A_395 = arith.constant 0 : i32
        %dma_start3A_396 = tpu.memref_slice %arg3[%dma_start3A_394, %dma_start3A_395] : memref<100000x128xf32, #tpu.memory_space<hbm>> -> memref<100000x128xf32, #tpu.memory_space<hbm>>
        tpu.enqueue_indirect_dma source(%dma_start3A_396 : memref<100000x128xf32, #tpu.memory_space<hbm>>) target(%dma_start3A_392 : memref<40x128xf32, #tpu.memory_space<vmem>>) offsets(%dma_start3A_393 : memref<40xi32, #tpu.memory_space<vmem>>) semaphore(%arg9 : memref<!tpu.dma_semaphore, #tpu.memory_space<semaphore_mem>>)
        %mul3A_397 = arith.constant 200 : i32
        %mul3A_398 = arith.muli %add3A_363, %mul3A_397 : i32
        %add3A_399 = arith.constant 120 : i32
        %add3A_400 = arith.addi %mul3A_398, %add3A_399 : i32
        %dma_start3A_401 = arith.constant 120 : i32
        %dma_start3A_402 = arith.constant 0 : i32
        %dma_start3A_403 = tpu.memref_slice %arg6[%dma_start3A_401, %dma_start3A_402] : memref<200x128xf32, #tpu.memory_space<vmem>> -> memref<40x128xf32, #tpu.memory_space<vmem>>
        %dma_start3A_404 = tpu.memref_slice %arg5[%add3A_400] : memref<25600xi32, #tpu.memory_space<vmem>> -> memref<40xi32, #tpu.memory_space<vmem>>
        %dma_start3A_405 = arith.constant 0 : i32
        %dma_start3A_406 = arith.constant 0 : i32
        %dma_start3A_407 = tpu.memref_slice %arg3[%dma_start3A_405, %dma_start3A_406] : memref<100000x128xf32, #tpu.memory_space<hbm>> -> memref<100000x128xf32, #tpu.memory_space<hbm>>
        tpu.enqueue_indirect_dma source(%dma_start3A_407 : memref<100000x128xf32, #tpu.memory_space<hbm>>) target(%dma_start3A_403 : memref<40x128xf32, #tpu.memory_space<vmem>>) offsets(%dma_start3A_404 : memref<40xi32, #tpu.memory_space<vmem>>) semaphore(%arg9 : memref<!tpu.dma_semaphore, #tpu.memory_space<semaphore_mem>>)
        %mul3A_408 = arith.constant 200 : i32
        %mul3A_409 = arith.muli %add3A_363, %mul3A_408 : i32
        %add3A_410 = arith.constant 160 : i32
        %add3A_411 = arith.addi %mul3A_409, %add3A_410 : i32
        %dma_start3A_412 = arith.constant 160 : i32
        %dma_start3A_413 = arith.constant 0 : i32
        %dma_start3A_414 = tpu.memref_slice %arg6[%dma_start3A_412, %dma_start3A_413] : memref<200x128xf32, #tpu.memory_space<vmem>> -> memref<40x128xf32, #tpu.memory_space<vmem>>
        %dma_start3A_415 = tpu.memref_slice %arg5[%add3A_411] : memref<25600xi32, #tpu.memory_space<vmem>> -> memref<40xi32, #tpu.memory_space<vmem>>
        %dma_start3A_416 = arith.constant 0 : i32
        %dma_start3A_417 = arith.constant 0 : i32
        %dma_start3A_418 = tpu.memref_slice %arg3[%dma_start3A_416, %dma_start3A_417] : memref<100000x128xf32, #tpu.memory_space<hbm>> -> memref<100000x128xf32, #tpu.memory_space<hbm>>
        tpu.enqueue_indirect_dma source(%dma_start3A_418 : memref<100000x128xf32, #tpu.memory_space<hbm>>) target(%dma_start3A_414 : memref<40x128xf32, #tpu.memory_space<vmem>>) offsets(%dma_start3A_415 : memref<40xi32, #tpu.memory_space<vmem>>) semaphore(%arg9 : memref<!tpu.dma_semaphore, #tpu.memory_space<semaphore_mem>>)
      } else {
      }
      %dma_wait3A_234 = arith.constant 0 : i32
      %dma_wait3A_235 = arith.constant 0 : i32
      %dma_wait3A_236 = tpu.memref_slice %arg7[%dma_wait3A_234, %dma_wait3A_235] : memref<200x128xf32, #tpu.memory_space<vmem>> -> memref<40x128xf32, #tpu.memory_space<vmem>>
      %dma_wait3A_237 = arith.constant 0 : i32
      %dma_wait3A_238 = tpu.memref_slice %arg5[%dma_wait3A_237] : memref<25600xi32, #tpu.memory_space<vmem>> -> memref<40xi32, #tpu.memory_space<vmem>>
      %dma_wait3A_239 = arith.constant 0 : i32
      %dma_wait3A_240 = arith.constant 0 : i32
      %dma_wait3A_241 = tpu.memref_slice %arg3[%dma_wait3A_239, %dma_wait3A_240] : memref<100000x128xf32, #tpu.memory_space<hbm>> -> memref<100000x128xf32, #tpu.memory_space<hbm>>
      tpu.wait_indirect_dma semaphore(%arg10 : memref<!tpu.dma_semaphore, #tpu.memory_space<semaphore_mem>>) src(%dma_wait3A_241 : memref<100000x128xf32, #tpu.memory_space<hbm>>) dst(%dma_wait3A_236 : memref<40x128xf32, #tpu.memory_space<vmem>>)
      %dma_wait3A_242 = arith.constant 40 : i32
      %dma_wait3A_243 = arith.constant 0 : i32
      %dma_wait3A_244 = tpu.memref_slice %arg7[%dma_wait3A_242, %dma_wait3A_243] : memref<200x128xf32, #tpu.memory_space<vmem>> -> memref<40x128xf32, #tpu.memory_space<vmem>>
      %dma_wait3A_245 = arith.constant 40 : i32
      %dma_wait3A_246 = tpu.memref_slice %arg5[%dma_wait3A_245] : memref<25600xi32, #tpu.memory_space<vmem>> -> memref<40xi32, #tpu.memory_space<vmem>>
      %dma_wait3A_247 = arith.constant 0 : i32
      %dma_wait3A_248 = arith.constant 0 : i32
      %dma_wait3A_249 = tpu.memref_slice %arg3[%dma_wait3A_247, %dma_wait3A_248] : memref<100000x128xf32, #tpu.memory_space<hbm>> -> memref<100000x128xf32, #tpu.memory_space<hbm>>
      tpu.wait_indirect_dma semaphore(%arg10 : memref<!tpu.dma_semaphore, #tpu.memory_space<semaphore_mem>>) src(%dma_wait3A_249 : memref<100000x128xf32, #tpu.memory_space<hbm>>) dst(%dma_wait3A_244 : memref<40x128xf32, #tpu.memory_space<vmem>>)
      %dma_wait3A_250 = arith.constant 80 : i32
      %dma_wait3A_251 = arith.constant 0 : i32
      %dma_wait3A_252 = tpu.memref_slice %arg7[%dma_wait3A_250, %dma_wait3A_251] : memref<200x128xf32, #tpu.memory_space<vmem>> -> memref<40x128xf32, #tpu.memory_space<vmem>>
      %dma_wait3A_253 = arith.constant 80 : i32
      %dma_wait3A_254 = tpu.memref_slice %arg5[%dma_wait3A_253] : memref<25600xi32, #tpu.memory_space<vmem>> -> memref<40xi32, #tpu.memory_space<vmem>>
      %dma_wait3A_255 = arith.constant 0 : i32
      %dma_wait3A_256 = arith.constant 0 : i32
      %dma_wait3A_257 = tpu.memref_slice %arg3[%dma_wait3A_255, %dma_wait3A_256] : memref<100000x128xf32, #tpu.memory_space<hbm>> -> memref<100000x128xf32, #tpu.memory_space<hbm>>
      tpu.wait_indirect_dma semaphore(%arg10 : memref<!tpu.dma_semaphore, #tpu.memory_space<semaphore_mem>>) src(%dma_wait3A_257 : memref<100000x128xf32, #tpu.memory_space<hbm>>) dst(%dma_wait3A_252 : memref<40x128xf32, #tpu.memory_space<vmem>>)
      %dma_wait3A_258 = arith.constant 120 : i32
      %dma_wait3A_259 = arith.constant 0 : i32
      %dma_wait3A_260 = tpu.memref_slice %arg7[%dma_wait3A_258, %dma_wait3A_259] : memref<200x128xf32, #tpu.memory_space<vmem>> -> memref<40x128xf32, #tpu.memory_space<vmem>>
      %dma_wait3A_261 = arith.constant 120 : i32
      %dma_wait3A_262 = tpu.memref_slice %arg5[%dma_wait3A_261] : memref<25600xi32, #tpu.memory_space<vmem>> -> memref<40xi32, #tpu.memory_space<vmem>>
      %dma_wait3A_263 = arith.constant 0 : i32
      %dma_wait3A_264 = arith.constant 0 : i32
      %dma_wait3A_265 = tpu.memref_slice %arg3[%dma_wait3A_263, %dma_wait3A_264] : memref<100000x128xf32, #tpu.memory_space<hbm>> -> memref<100000x128xf32, #tpu.memory_space<hbm>>
      tpu.wait_indirect_dma semaphore(%arg10 : memref<!tpu.dma_semaphore, #tpu.memory_space<semaphore_mem>>) src(%dma_wait3A_265 : memref<100000x128xf32, #tpu.memory_space<hbm>>) dst(%dma_wait3A_260 : memref<40x128xf32, #tpu.memory_space<vmem>>)
      %dma_wait3A_266 = arith.constant 160 : i32
      %dma_wait3A_267 = arith.constant 0 : i32
      %dma_wait3A_268 = tpu.memref_slice %arg7[%dma_wait3A_266, %dma_wait3A_267] : memref<200x128xf32, #tpu.memory_space<vmem>> -> memref<40x128xf32, #tpu.memory_space<vmem>>
      %dma_wait3A_269 = arith.constant 160 : i32
      %dma_wait3A_270 = tpu.memref_slice %arg5[%dma_wait3A_269] : memref<25600xi32, #tpu.memory_space<vmem>> -> memref<40xi32, #tpu.memory_space<vmem>>
      %dma_wait3A_271 = arith.constant 0 : i32
      %dma_wait3A_272 = arith.constant 0 : i32
      %dma_wait3A_273 = tpu.memref_slice %arg3[%dma_wait3A_271, %dma_wait3A_272] : memref<100000x128xf32, #tpu.memory_space<hbm>> -> memref<100000x128xf32, #tpu.memory_space<hbm>>
      tpu.wait_indirect_dma semaphore(%arg10 : memref<!tpu.dma_semaphore, #tpu.memory_space<semaphore_mem>>) src(%dma_wait3A_273 : memref<100000x128xf32, #tpu.memory_space<hbm>>) dst(%dma_wait3A_268 : memref<40x128xf32, #tpu.memory_space<vmem>>)
      %add3A_274 = arith.constant 1 : i32
      %add3A_275 = arith.addi %mul3A_51, %add3A_274 : i32
      %broadcast_in_dim3A_276 = arith.constant 0.000000e+00 : f32
      %broadcast_in_dim3A_277 = vector.broadcast %broadcast_in_dim3A_276 : f32 to vector<16xf32>
      %broadcast_in_dim3A_278 = arith.constant 0.000000e+00 : f32
      %broadcast_in_dim3A_279 = vector.broadcast %broadcast_in_dim3A_278 : f32 to vector<16xf32>
      %broadcast_in_dim3A_280 = arith.constant 0.000000e+00 : f32
      %broadcast_in_dim3A_281 = vector.broadcast %broadcast_in_dim3A_280 : f32 to vector<16xf32>
      %broadcast_in_dim3A_282 = arith.constant 0.000000e+00 : f32
      %broadcast_in_dim3A_283 = vector.broadcast %broadcast_in_dim3A_282 : f32 to vector<16xf32>
      %broadcast_in_dim3A_284 = arith.constant 0.000000e+00 : f32
      %broadcast_in_dim3A_285 = vector.broadcast %broadcast_in_dim3A_284 : f32 to vector<16xf32>
      %broadcast_in_dim3A_286 = arith.constant 0.000000e+00 : f32
      %broadcast_in_dim3A_287 = vector.broadcast %broadcast_in_dim3A_286 : f32 to vector<16xf32>
      %broadcast_in_dim3A_288 = arith.constant 0.000000e+00 : f32
      %broadcast_in_dim3A_289 = vector.broadcast %broadcast_in_dim3A_288 : f32 to vector<16xf32>
      %broadcast_in_dim3A_290 = arith.constant 0.000000e+00 : f32
      %broadcast_in_dim3A_291 = vector.broadcast %broadcast_in_dim3A_290 : f32 to vector<16xf32>
      %scan3A_292 = arith.constant 0 : i32
      %scan3A_293 = arith.constant 200 : i32
      %scan3A_294 = arith.addi %scan3A_292, %scan3A_293 : i32
      %scan3A_295 = arith.constant 1 : i32
      %scan3A_296:8 = scf.for %scan3A_362 = %scan3A_292 to %scan3A_294 step %scan3A_295 iter_args(%scan3A_363 = %broadcast_in_dim3A_277, %scan3A_364 = %broadcast_in_dim3A_279, %scan3A_365 = %broadcast_in_dim3A_281, %scan3A_366 = %broadcast_in_dim3A_283, %scan3A_367 = %broadcast_in_dim3A_285, %scan3A_368 = %broadcast_in_dim3A_287, %scan3A_369 = %broadcast_in_dim3A_289, %scan3A_370 = %broadcast_in_dim3A_291) -> (vector<16xf32>, vector<16xf32>, vector<16xf32>, vector<16xf32>, vector<16xf32>, vector<16xf32>, vector<16xf32>, vector<16xf32>)  : i32 {
        %get3A = arith.index_cast %scan3A_362 : i32 to index
        %get3A_371 = arith.constant 0 : index
        %get3A_372 = tpu.vector_load %arg7[%get3A, %get3A_371] {strides = array<i32>} : memref<200x128xf32, #tpu.memory_space<vmem>>, vector<1x16xf32>,
        %get3A_373 = vector.shape_cast %get3A_372 : vector<1x16xf32> to vector<16xf32>
        %add3A_374 = arith.addf %scan3A_363, %get3A_373 : vector<16xf32>
        %get3A_375 = arith.index_cast %scan3A_362 : i32 to index
        %get3A_376 = arith.constant 16 : index
        %get3A_377 = tpu.vector_load %arg7[%get3A_375, %get3A_376] {strides = array<i32>} : memref<200x128xf32, #tpu.memory_space<vmem>>, vector<1x16xf32>,
        %get3A_378 = vector.shape_cast %get3A_377 : vector<1x16xf32> to vector<16xf32>
        %add3A_379 = arith.addf %scan3A_364, %get3A_378 : vector<16xf32>
        %get3A_380 = arith.index_cast %scan3A_362 : i32 to index
        %get3A_381 = arith.constant 32 : index
        %get3A_382 = tpu.vector_load %arg7[%get3A_380, %get3A_381] {strides = array<i32>} : memref<200x128xf32, #tpu.memory_space<vmem>>, vector<1x16xf32>,
        %get3A_383 = vector.shape_cast %get3A_382 : vector<1x16xf32> to vector<16xf32>
        %add3A_384 = arith.addf %scan3A_365, %get3A_383 : vector<16xf32>
        %get3A_385 = arith.index_cast %scan3A_362 : i32 to index
        %get3A_386 = arith.constant 48 : index
        %get3A_387 = tpu.vector_load %arg7[%get3A_385, %get3A_386] {strides = array<i32>} : memref<200x128xf32, #tpu.memory_space<vmem>>, vector<1x16xf32>,
        %get3A_388 = vector.shape_cast %get3A_387 : vector<1x16xf32> to vector<16xf32>
        %add3A_389 = arith.addf %scan3A_366, %get3A_388 : vector<16xf32>
        %get3A_390 = arith.index_cast %scan3A_362 : i32 to index
        %get3A_391 = arith.constant 64 : index
        %get3A_392 = tpu.vector_load %arg7[%get3A_390, %get3A_391] {strides = array<i32>} : memref<200x128xf32, #tpu.memory_space<vmem>>, vector<1x16xf32>,
        %get3A_393 = vector.shape_cast %get3A_392 : vector<1x16xf32> to vector<16xf32>
        %add3A_394 = arith.addf %scan3A_367, %get3A_393 : vector<16xf32>
        %get3A_395 = arith.index_cast %scan3A_362 : i32 to index
        %get3A_396 = arith.constant 80 : index
        %get3A_397 = tpu.vector_load %arg7[%get3A_395, %get3A_396] {strides = array<i32>} : memref<200x128xf32, #tpu.memory_space<vmem>>, vector<1x16xf32>,
        %get3A_398 = vector.shape_cast %get3A_397 : vector<1x16xf32> to vector<16xf32>
        %add3A_399 = arith.addf %scan3A_368, %get3A_398 : vector<16xf32>
        %get3A_400 = arith.index_cast %scan3A_362 : i32 to index
        %get3A_401 = arith.constant 96 : index
        %get3A_402 = tpu.vector_load %arg7[%get3A_400, %get3A_401] {strides = array<i32>} : memref<200x128xf32, #tpu.memory_space<vmem>>, vector<1x16xf32>,
        %get3A_403 = vector.shape_cast %get3A_402 : vector<1x16xf32> to vector<16xf32>
        %add3A_404 = arith.addf %scan3A_369, %get3A_403 : vector<16xf32>
        %get3A_405 = arith.index_cast %scan3A_362 : i32 to index
        %get3A_406 = arith.constant 112 : index
        %get3A_407 = tpu.vector_load %arg7[%get3A_405, %get3A_406] {strides = array<i32>} : memref<200x128xf32, #tpu.memory_space<vmem>>, vector<1x16xf32>,
        %get3A_408 = vector.shape_cast %get3A_407 : vector<1x16xf32> to vector<16xf32>
        %add3A_409 = arith.addf %scan3A_370, %get3A_408 : vector<16xf32>
        scf.yield %add3A_374, %add3A_379, %add3A_384, %add3A_389, %add3A_394, %add3A_399, %add3A_404, %add3A_409 : vector<16xf32>, vector<16xf32>, vector<16xf32>, vector<16xf32>, vector<16xf32>, vector<16xf32>, vector<16xf32>, vector<16xf32>
      }
      %scan3A_297 = arith.constant 200 : i32
      %mul3A_298 = arith.constant 5.000000e-03 : f32
      %mul3A_299 = vector.broadcast %mul3A_298 : f32 to vector<16xf32>
      %mul3A_300 = arith.mulf %scan3A_296#0, %mul3A_299 : vector<16xf32>
      %swap3A_301 = arith.index_cast %add3A_275 : i32 to index
      %swap3A_302 = arith.constant 0 : index
      %swap3A_303 = tpu.vector_load %arg8[%swap3A_301, %swap3A_302] {strides = array<i32>} : memref<128x128xf32, #tpu.memory_space<vmem>>, vector<1x16xf32>,
      %swap3A_304 = vector.shape_cast %swap3A_303 : vector<1x16xf32> to vector<16xf32>
      %swap3A_305 = vector.shape_cast %mul3A_300 : vector<16xf32> to vector<1x16xf32>
      tpu.vector_store %arg8[%swap3A_301, %swap3A_302], %swap3A_305 {strides = array<i32>} : memref<128x128xf32, #tpu.memory_space<vmem>>, vector<1x16xf32>,
      %mul3A_306 = arith.constant 5.000000e-03 : f32
      %mul3A_307 = vector.broadcast %mul3A_306 : f32 to vector<16xf32>
      %mul3A_308 = arith.mulf %scan3A_296#1, %mul3A_307 : vector<16xf32>
      %swap3A_309 = arith.index_cast %add3A_275 : i32 to index
      %swap3A_310 = arith.constant 16 : index
      %swap3A_311 = tpu.vector_load %arg8[%swap3A_309, %swap3A_310] {strides = array<i32>} : memref<128x128xf32, #tpu.memory_space<vmem>>, vector<1x16xf32>,
      %swap3A_312 = vector.shape_cast %swap3A_311 : vector<1x16xf32> to vector<16xf32>
      %swap3A_313 = vector.shape_cast %mul3A_308 : vector<16xf32> to vector<1x16xf32>
      tpu.vector_store %arg8[%swap3A_309, %swap3A_310], %swap3A_313 {strides = array<i32>} : memref<128x128xf32, #tpu.memory_space<vmem>>, vector<1x16xf32>,
      %mul3A_314 = arith.constant 5.000000e-03 : f32
      %mul3A_315 = vector.broadcast %mul3A_314 : f32 to vector<16xf32>
      %mul3A_316 = arith.mulf %scan3A_296#2, %mul3A_315 : vector<16xf32>
      %swap3A_317 = arith.index_cast %add3A_275 : i32 to index
      %swap3A_318 = arith.constant 32 : index
      %swap3A_319 = tpu.vector_load %arg8[%swap3A_317, %swap3A_318] {strides = array<i32>} : memref<128x128xf32, #tpu.memory_space<vmem>>, vector<1x16xf32>,
      %swap3A_320 = vector.shape_cast %swap3A_319 : vector<1x16xf32> to vector<16xf32>
      %swap3A_321 = vector.shape_cast %mul3A_316 : vector<16xf32> to vector<1x16xf32>
      tpu.vector_store %arg8[%swap3A_317, %swap3A_318], %swap3A_321 {strides = array<i32>} : memref<128x128xf32, #tpu.memory_space<vmem>>, vector<1x16xf32>,
      %mul3A_322 = arith.constant 5.000000e-03 : f32
      %mul3A_323 = vector.broadcast %mul3A_322 : f32 to vector<16xf32>
      %mul3A_324 = arith.mulf %scan3A_296#3, %mul3A_323 : vector<16xf32>
      %swap3A_325 = arith.index_cast %add3A_275 : i32 to index
      %swap3A_326 = arith.constant 48 : index
      %swap3A_327 = tpu.vector_load %arg8[%swap3A_325, %swap3A_326] {strides = array<i32>} : memref<128x128xf32, #tpu.memory_space<vmem>>, vector<1x16xf32>,
      %swap3A_328 = vector.shape_cast %swap3A_327 : vector<1x16xf32> to vector<16xf32>
      %swap3A_329 = vector.shape_cast %mul3A_324 : vector<16xf32> to vector<1x16xf32>
      tpu.vector_store %arg8[%swap3A_325, %swap3A_326], %swap3A_329 {strides = array<i32>} : memref<128x128xf32, #tpu.memory_space<vmem>>, vector<1x16xf32>,
      %mul3A_330 = arith.constant 5.000000e-03 : f32
      %mul3A_331 = vector.broadcast %mul3A_330 : f32 to vector<16xf32>
      %mul3A_332 = arith.mulf %scan3A_296#4, %mul3A_331 : vector<16xf32>
      %swap3A_333 = arith.index_cast %add3A_275 : i32 to index
      %swap3A_334 = arith.constant 64 : index
      %swap3A_335 = tpu.vector_load %arg8[%swap3A_333, %swap3A_334] {strides = array<i32>} : memref<128x128xf32, #tpu.memory_space<vmem>>, vector<1x16xf32>,
      %swap3A_336 = vector.shape_cast %swap3A_335 : vector<1x16xf32> to vector<16xf32>
      %swap3A_337 = vector.shape_cast %mul3A_332 : vector<16xf32> to vector<1x16xf32>
      tpu.vector_store %arg8[%swap3A_333, %swap3A_334], %swap3A_337 {strides = array<i32>} : memref<128x128xf32, #tpu.memory_space<vmem>>, vector<1x16xf32>,
      %mul3A_338 = arith.constant 5.000000e-03 : f32
      %mul3A_339 = vector.broadcast %mul3A_338 : f32 to vector<16xf32>
      %mul3A_340 = arith.mulf %scan3A_296#5, %mul3A_339 : vector<16xf32>
      %swap3A_341 = arith.index_cast %add3A_275 : i32 to index
      %swap3A_342 = arith.constant 80 : index
      %swap3A_343 = tpu.vector_load %arg8[%swap3A_341, %swap3A_342] {strides = array<i32>} : memref<128x128xf32, #tpu.memory_space<vmem>>, vector<1x16xf32>,
      %swap3A_344 = vector.shape_cast %swap3A_343 : vector<1x16xf32> to vector<16xf32>
      %swap3A_345 = vector.shape_cast %mul3A_340 : vector<16xf32> to vector<1x16xf32>
      tpu.vector_store %arg8[%swap3A_341, %swap3A_342], %swap3A_345 {strides = array<i32>} : memref<128x128xf32, #tpu.memory_space<vmem>>, vector<1x16xf32>,
      %mul3A_346 = arith.constant 5.000000e-03 : f32
      %mul3A_347 = vector.broadcast %mul3A_346 : f32 to vector<16xf32>
      %mul3A_348 = arith.mulf %scan3A_296#6, %mul3A_347 : vector<16xf32>
      %swap3A_349 = arith.index_cast %add3A_275 : i32 to index
      %swap3A_350 = arith.constant 96 : index
      %swap3A_351 = tpu.vector_load %arg8[%swap3A_349, %swap3A_350] {strides = array<i32>} : memref<128x128xf32, #tpu.memory_space<vmem>>, vector<1x16xf32>,
      %swap3A_352 = vector.shape_cast %swap3A_351 : vector<1x16xf32> to vector<16xf32>
      %swap3A_353 = vector.shape_cast %mul3A_348 : vector<16xf32> to vector<1x16xf32>
      tpu.vector_store %arg8[%swap3A_349, %swap3A_350], %swap3A_353 {strides = array<i32>} : memref<128x128xf32, #tpu.memory_space<vmem>>, vector<1x16xf32>,
      %mul3A_354 = arith.constant 5.000000e-03 : f32
      %mul3A_355 = vector.broadcast %mul3A_354 : f32 to vector<16xf32>
      %mul3A_356 = arith.mulf %scan3A_296#7, %mul3A_355 : vector<16xf32>
      %swap3A_357 = arith.index_cast %add3A_275 : i32 to index
      %swap3A_358 = arith.constant 112 : index
      %swap3A_359 = tpu.vector_load %arg8[%swap3A_357, %swap3A_358] {strides = array<i32>} : memref<128x128xf32, #tpu.memory_space<vmem>>, vector<1x16xf32>,
      %swap3A_360 = vector.shape_cast %swap3A_359 : vector<1x16xf32> to vector<16xf32>
      %swap3A_361 = vector.shape_cast %mul3A_356 : vector<16xf32> to vector<1x16xf32>
      tpu.vector_store %arg8[%swap3A_357, %swap3A_358], %swap3A_361 {strides = array<i32>} : memref<128x128xf32, #tpu.memory_space<vmem>>, vector<1x16xf32>,
    }
    %scan3A_48 = arith.constant 64 : i32
    "tpu.region"() ({
      %run_scoped3A = tpu.sem_alloc : memref<!tpu.dma_semaphore, #tpu.memory_space<semaphore_mem>>
      %dma_start3A_49 = arith.constant 0 : i32
      %dma_start3A_50 = tpu.memref_slice %arg4[%mul3A_2, %dma_start3A_49] : memref<4096x128xf32, #tpu.memory_space<hbm>> -> memref<128x128xf32, #tpu.memory_space<hbm>>
      %dma_start3A_51 = arith.constant 0 : i32
      %dma_start3A_52 = tpu.memref_slice %arg4[%mul3A_2, %dma_start3A_51] : memref<4096x128xf32, #tpu.memory_space<hbm>> -> memref<128x128xf32, #tpu.memory_space<hbm>>
      tpu.enqueue_dma source(%arg8 : memref<128x128xf32, #tpu.memory_space<vmem>>) target(%dma_start3A_52 : memref<128x128xf32, #tpu.memory_space<hbm>>) target_semaphore(%run_scoped3A : memref<!tpu.dma_semaphore, #tpu.memory_space<semaphore_mem>>)
      %dma_wait3A = arith.constant 0 : i32
      %dma_wait3A_53 = tpu.memref_slice %arg4[%mul3A_2, %dma_wait3A] : memref<4096x128xf32, #tpu.memory_space<hbm>> -> memref<128x128xf32, #tpu.memory_space<hbm>>
      %dma_wait3A_54 = arith.constant 0 : i32
      %dma_wait3A_55 = tpu.memref_slice %arg4[%mul3A_2, %dma_wait3A_54] : memref<4096x128xf32, #tpu.memory_space<hbm>> -> memref<128x128xf32, #tpu.memory_space<hbm>>
      tpu.wait_dma2 semaphore(%run_scoped3A : memref<!tpu.dma_semaphore, #tpu.memory_space<semaphore_mem>>) src(%arg8 : memref<128x128xf32, #tpu.memory_space<vmem>>) dst(%dma_wait3A_55 : memref<128x128xf32, #tpu.memory_space<hbm>>)
      tpu.yield
    }) : () -> ()
    return
  }
}

module attributes {stable_mosaic.version = 14 : i64} {
  func.func @_head_body(%arg0: i32, %arg1: memref<4096x128xf32, #tpu.memory_space<vmem>>, %arg2: memref<128x1000xf32, #tpu.memory_space<vmem>>, %arg3: memref<1x1000xf32, #tpu.memory_space<vmem>>, %arg4: memref<1x1x4096xi32, #tpu.memory_space<vmem>>, %arg5: memref<1x1x4096xf32, #tpu.memory_space<vmem>>) attributes {dimension_semantics = [#tpu.dimension_semantics<arbitrary>], iteration_bounds = array<i64: 1>, scalar_prefetch = 0 : i64, scratch_operands = 0 : i64, tpu.core_type = #tpu.core_type<tc>, window_params = [{transform_indices = @transform_0, window_bounds = array<i64: 4096, 128>}, {pipeline_mode = #tpu.pipeline_mode<synchronous>, transform_indices = @transform_1, window_bounds = array<i64: 128, 1000>}, {pipeline_mode = #tpu.pipeline_mode<synchronous>, transform_indices = @transform_2, window_bounds = array<i64: 1, 1000>}, {transform_indices = @transform_3, window_bounds = array<i64: 1, 1, 4096>}, {transform_indices = @transform_4, window_bounds = array<i64: 1, 1, 4096>}]} {
    %get3A = arith.constant 0 : index
    %get3A_0 = arith.constant 0 : index
    %get3A_1 = vector.load %arg1[%get3A, %get3A_0] : memref<4096x128xf32, #tpu.memory_space<vmem>>, vector<4096x128xf32>
    %get3A_2 = arith.constant 0 : index
    %get3A_3 = arith.constant 0 : index
    %get3A_4 = vector.load %arg2[%get3A_2, %get3A_3] : memref<128x1000xf32, #tpu.memory_space<vmem>>, vector<128x1000xf32>
    %dot_general3A = arith.constant dense<0.000000e+00> : vector<4096x1000xf32>
    %dot_general3A_5 = tpu.matmul %get3A_1, %get3A_4, %dot_general3A {dimension_numbers = #tpu.dot_dimension_numbers<[1], [0], [0], [1], [0, 0, 1, 1], [], []>, transpose_lhs_hint = false} : vector<4096x128xf32>, vector<128x1000xf32>, vector<4096x1000xf32> -> vector<4096x1000xf32>
    %get3A_6 = arith.constant 0 : index
    %get3A_7 = arith.constant 0 : index
    %get3A_8 = vector.load %arg3[%get3A_6, %get3A_7] : memref<1x1000xf32, #tpu.memory_space<vmem>>, vector<1x1000xf32>
    %add3A = vector.broadcast %get3A_8 : vector<1x1000xf32> to vector<4096x1000xf32>
    %add3A_9 = arith.addf %dot_general3A_5, %add3A : vector<4096x1000xf32>
    %reduce_max3A = arith.constant dense<0xFF800000> : vector<4096xf32>
    %reduce_max3A_10 = vector.multi_reduction <maximumf>, %add3A_9, %reduce_max3A [1] : vector<4096x1000xf32> to vector<4096xf32>
    %broadcast_in_dim3A = vector.shape_cast %reduce_max3A_10 : vector<4096xf32> to vector<4096x1xf32>
    %sub3A = vector.broadcast %broadcast_in_dim3A : vector<4096x1xf32> to vector<4096x1000xf32>
    %sub3A_11 = arith.subf %add3A_9, %sub3A : vector<4096x1000xf32>
    %exp3A = math.exp %sub3A_11 : vector<4096x1000xf32>
    %reduce_sum3A = arith.constant dense<0.000000e+00> : vector<4096xf32>
    %reduce_sum3A_12 = vector.multi_reduction <add>, %exp3A, %reduce_sum3A [1] : vector<4096x1000xf32> to vector<4096xf32>
    %div3A = arith.constant 1.000000e+00 : f32
    %div3A_13 = vector.broadcast %div3A : f32 to vector<4096xf32>
    %div3A_14 = arith.divf %div3A_13, %reduce_sum3A_12 : vector<4096xf32>
    %swap3A = arith.constant 0 : index
    %swap3A_15 = arith.constant 0 : index
    %swap3A_16 = arith.constant 0 : index
    %swap3A_17 = vector.load %arg5[%swap3A, %swap3A_15, %swap3A_16] : memref<1x1x4096xf32, #tpu.memory_space<vmem>>, vector<1x1x4096xf32>
    %swap3A_18 = vector.shape_cast %swap3A_17 : vector<1x1x4096xf32> to vector<4096xf32>
    %swap3A_19 = vector.shape_cast %div3A_14 : vector<4096xf32> to vector<1x1x4096xf32>
    tpu.vector_store %arg5[%swap3A, %swap3A_15, %swap3A_16], %swap3A_19 {strides = array<i32>} : memref<1x1x4096xf32, #tpu.memory_space<vmem>>, vector<1x1x4096xf32>,
    %iota3A = tpu.iota {dimensions = array<i32: 1>} : vector<4096x1000xi32>
    %eq3A = vector.broadcast %broadcast_in_dim3A : vector<4096x1xf32> to vector<4096x1000xf32>
    %eq3A_20 = arith.cmpf oeq, %add3A_9, %eq3A : vector<4096x1000xf32>
    %jit3A = arith.constant 1000 : i32
    %broadcast_in_dim3A_21 = vector.broadcast %jit3A : i32 to vector<4096x1000xi32>
    %select_n3A = arith.select %eq3A_20, %iota3A, %broadcast_in_dim3A_21 : vector<4096x1000xi1>, vector<4096x1000xi32>
    %reduce_min3A = arith.constant dense<2147483647> : vector<4096xi32>
    %reduce_min3A_22 = vector.multi_reduction <minsi>, %select_n3A, %reduce_min3A [1] : vector<4096x1000xi32> to vector<4096xi32>
    %swap3A_23 = arith.constant 0 : index
    %swap3A_24 = arith.constant 0 : index
    %swap3A_25 = arith.constant 0 : index
    %swap3A_26 = vector.load %arg4[%swap3A_23, %swap3A_24, %swap3A_25] : memref<1x1x4096xi32, #tpu.memory_space<vmem>>, vector<1x1x4096xi32>
    %swap3A_27 = vector.shape_cast %swap3A_26 : vector<1x1x4096xi32> to vector<4096xi32>
    %swap3A_28 = vector.shape_cast %reduce_min3A_22 : vector<4096xi32> to vector<1x1x4096xi32>
    tpu.vector_store %arg4[%swap3A_23, %swap3A_24, %swap3A_25], %swap3A_28 {strides = array<i32>} : memref<1x1x4096xi32, #tpu.memory_space<vmem>>, vector<1x1x4096xi32>,
    return
  }
  func.func @transform_0(%arg0: i32) -> (i32, i32) {
    %c0_i32 = arith.constant 0 : i32
    %c0_i32_0 = arith.constant 0 : i32
    return %arg0, %c0_i32 : i32, i32
  }
  func.func @transform_1(%arg0: i32) -> (i32, i32) {
    %c0_i32 = arith.constant 0 : i32
    %c0_i32_0 = arith.constant 0 : i32
    %c0_i32_1 = arith.constant 0 : i32
    return %c0_i32, %c0_i32_0 : i32, i32
  }
  func.func @transform_2(%arg0: i32) -> (i32, i32) {
    %c0_i32 = arith.constant 0 : i32
    %c0_i32_0 = arith.constant 0 : i32
    %c0_i32_1 = arith.constant 0 : i32
    return %c0_i32, %c0_i32_0 : i32, i32
  }
  func.func @transform_3(%arg0: i32) -> (i32, i32, i32) {
    %c0_i32 = arith.constant 0 : i32
    %c0_i32_0 = arith.constant 0 : i32
    %c0_i32_1 = arith.constant 0 : i32
    return %arg0, %c0_i32, %c0_i32_0 : i32, i32, i32
  }
  func.func @transform_4(%arg0: i32) -> (i32, i32, i32) {
    %c0_i32 = arith.constant 0 : i32
    %c0_i32_0 = arith.constant 0 : i32
    %c0_i32_1 = arith.constant 0 : i32
    return %arg0, %c0_i32, %c0_i32_0 : i32, i32, i32
  }
}

</mosaic_0001>

<sc_bundles>
// kernel: kernel.4.cloned.1.call-start
scs
__scs_entry_jumppad:
0x0: {  	(pc) =	sbr.rel $0x88, $3  }
0x1: {  	(tag) =	ssettag $0x0;
	lr =	simm.s32 $0x1  }
0x2: {  	[smem:$0x3F9D] =	sst lr;
	_ =	strace $0xD0000000  }
0x3: {  	_ = 	snop  }
0x4: {  	_ = 	snop  }
0x5: {  	_ = 	snop  }
0x6: {  	_ = 	snop  }
0x7: {  	_ = 	snop  }
__scs_overlays_trampoline_lowered:
0x8: {  	[smem:$0x3FAC] =	sst s0  }
0x9: {  	[smem:$0x3FAD] =	sst s1  }
0xa: {  	[smem:$0x3FAE] =	sst s2  }
0xb: {  	[smem:$0x3FAF] =	sst s3  }
0xc: {  	[smem:$0x3FB0] =	sst s4  }
0xd: {  	[smem:$0x3FB1] =	sst s5  }
0xe: {  	[smem:$0x3FB2] =	sst s6  }
0xf: {  	[smem:$0x3FB3] =	sst s7  }
0x10: {  	[smem:$0x3FB4] =	sst s8  }
0x11: {  	[smem:$0x3FB5] =	sst s9;
	s0 =	simm.s32 @!p0 $0x0  }
0x12: {  	s1 =	sld [smem:$0x3F9B];
	s0 =	simm.s32 @p0 $0x1  }
0x13: {  	[smem:$0x3FB6] =	sst s0;
	s0 =	simm.s32 @!p1 $0x0  }
0x14: {  	s2 =	sld [smem:$0x3F9A];
	s0 =	simm.s32 @p1 $0x1  }
0x15: {  	[smem:$0x3FB7] =	sst s0;
	s0 =	simm.s32 @!p2 $0x0  }
0x16: {  	s3 =	sld [smem:$0x3FDB];
	s0 =	simm.s32 @p2 $0x1  }
0x17: {  	s4 =	simm.s32 $0x1BF5;
	[smem:$0x3FB9] =	sst s0  }
0x18: {  	s0 =	sld [smem:$0x3F9C];
	_ =	swait.ge [sflag:s4], $0x0  }
0x19: {  	s7 =	sld [smem:$0x3F9D]  }
0x1a: {  	s8 =	sadd.s32 $0xFFFFE003, lr  }
0x1b: {  	s9 =	sadd.s32 $0xFFFFFEF7, lr;
	s5 =	simm.s32 $0xFFFFFFFF;
	p2 =	slt.u32 s8, $0xFFFFF086  }
0x1c: {  	p1 =	slt.u32 s9, $0xF7A;
	s5 =	simm.s32 @!p2 $0x0  }
0x1d: {  	s5 =	simm.s32 @p1 $0x1;
	p0 =	seq.s32 s7, s2  }
0x1e: {  	s7 =	smul.u32 @!p0 $0xF7A, s2;
	p2 =	seq.s32 @!p0 s5, $0x0  }
0x1f: {  	s9 =	smul.u32 $0xF7A, s1;
	s8 =	simm.s32 @!p0 $0x1BF5;
	p2 =	por !p2, p0  }
0x20: {  	[sflag:s8] =	ssyncset.s32 @!p0 $0xFFFFF086;
	s6 =	sadd.s32 @!p0 s3, s7;
	s7 =	simm.s32 @!p0 $0x108  }
0x21: {  	s3 =	sadd.s32 s3, s9;
	s6 =	sadd.s32 @!p0 $0x88, s6;
	s7 =	simm.s32 @p2 $0x1082  }
0x22: {  	[simem:s7], [sflag:s8] =	dma.local @!p0 [hbm:s6], $0xF7A  }
0x23: {  	s9 =	sor.u32 $0xD0000000, s2;
	s6 =	simm.s32 $0x108;
	_ =	swait.ge @!p0 [sflag:s8], $0x0  }
0x24: {  	s3 =	sadd.s32 $0x88, s3;
	s6 =	simm.s32 @!p1 $0x1082;
	[sflag:s4] =	ssyncset.s32 $0xFFFFF086  }
0x25: {  	[simem:s6], [sflag:s4] =	dma.local [hbm:s3], $0xF7A  }
0x26: {  	[smem:$0x3F9D] =	sst s1;
	(tag) =	ssettag s2;
	_ =	strace s9  }
0x27: {  	s1 =	sld [smem:$0x3FAD]  }
0x28: {  	s2 =	sld [smem:$0x3FAE]  }
0x29: {  	s4 =	sld [smem:$0x3FB0]  }
0x2a: {  	p0 =	seq.s32 s5, $0x0;
	s5 =	sld [smem:$0x3FB1]  }
0x2b: {  	s6 =	sld [smem:$0x3FB2]  }
0x2c: {  	s7 =	sld [smem:$0x3FB3]  }
0x2d: {  	s3 =	simm.s32 $0x108;
	s8 =	sld [smem:$0x3FB4]  }
0x2e: {  	s3 =	simm.s32 @!p0 $0x1082;
	s9 =	sld [smem:$0x3FB5]  }
0x2f: {  	lr =	sadd.s32 s0, s3;
	s0 =	sld [smem:$0x3FAC]  }
0x30: {  	s3 =	sld [smem:$0x3FAF]  }
0x31: {  	[smem:$0x3FB8] =	sst s10  }
0x32: {  	s10 =	sld [smem:$0x3FB6];
	_ =	sdelay $0x3  }
0x33: {  	p0 =	seq.s32 s10, $0x1;
	s10 =	sld [smem:$0x3FB8];
	_ =	sdelay $0x3  }
0x34: {  	[smem:$0x3FB8] =	sst s10  }
0x35: {  	s10 =	sld [smem:$0x3FB7];
	_ =	sdelay $0x3  }
0x36: {  	p1 =	seq.s32 s10, $0x1;
	s10 =	sld [smem:$0x3FB8];
	_ =	sdelay $0x3  }
0x37: {  	[smem:$0x3FB8] =	sst s10  }
0x38: {  	s10 =	sld [smem:$0x3FB9]  }
0x39: {  	_ = 	snop;
	(pc) =	sbr.ind lr, $3  }
0x3a: {  	_ = 	snop  }
0x3b: {  	_ = 	snop  }
0x3c: {  	p2 =	seq.s32 s10, $0x1;
	s10 =	sld [smem:$0x3FB8]  }
0x3d: {  	_ =	shalt  }
0x3e: {  	_ =	shalt  }
0x3f: {  	_ =	shalt  }
0x40: {  	_ =	shalt  }
0x41: {  	_ =	shalt  }
0x42: {  	_ =	shalt  }
0x43: {  	_ =	shalt  }
0x44: {  	_ =	shalt  }
0x45: {  	_ =	shalt  }
0x46: {  	_ =	shalt  }
0x47: {  	_ =	shalt  }
0x48: {  	_ =	shalt  }
0x49: {  	_ =	shalt  }
0x4a: {  	_ =	shalt  }
0x4b: {  	_ =	shalt  }
0x4c: {  	_ =	shalt  }
0x4d: {  	_ =	shalt  }
0x4e: {  	_ =	shalt  }
0x4f: {  	_ =	shalt  }
0x50: {  	_ =	shalt  }
0x51: {  	_ =	shalt  }
0x52: {  	_ =	shalt  }
0x53: {  	_ =	shalt  }
0x54: {  	_ =	shalt  }
0x55: {  	_ =	shalt  }
0x56: {  	_ =	shalt  }
0x57: {  	_ =	shalt  }
0x58: {  	_ =	shalt  }
0x59: {  	_ =	shalt  }
0x5a: {  	_ =	shalt  }
0x5b: {  	_ =	shalt  }
0x5c: {  	_ =	shalt  }
0x5d: {  	_ =	shalt  }
0x5e: {  	_ =	shalt  }
0x5f: {  	_ =	shalt  }
0x60: {  	_ =	shalt  }
0x61: {  	_ =	shalt  }
0x62: {  	_ =	shalt  }
0x63: {  	_ =	shalt  }
0x64: {  	_ =	shalt  }
0x65: {  	_ =	shalt  }
0x66: {  	_ =	shalt  }
0x67: {  	_ =	shalt  }
0x68: {  	_ =	shalt  }
0x69: {  	_ =	shalt  }
0x6a: {  	_ =	shalt  }
0x6b: {  	_ =	shalt  }
0x6c: {  	_ =	shalt  }
0x6d: {  	_ =	shalt  }
0x6e: {  	_ =	shalt  }
0x6f: {  	_ =	shalt  }
0x70: {  	_ =	shalt  }
0x71: {  	_ =	shalt  }
0x72: {  	_ =	shalt  }
0x73: {  	_ =	shalt  }
0x74: {  	_ =	shalt  }
0x75: {  	_ =	shalt  }
0x76: {  	_ =	shalt  }
0x77: {  	_ =	shalt  }
0x78: {  	_ =	shalt  }
0x79: {  	_ =	shalt  }
0x7a: {  	_ =	shalt  }
0x7b: {  	_ =	shalt  }
0x7c: {  	_ =	shalt  }
0x7d: {  	_ =	shalt  }
0x7e: {  	_ =	shalt  }
0x7f: {  	_ =	shalt  }
0x80: {  	_ =	shalt  }
0x81: {  	_ =	shalt  }
0x82: {  	_ =	shalt  }
0x83: {  	_ =	shalt  }
0x84: {  	_ =	shalt  }
0x85: {  	_ =	shalt  }
0x86: {  	_ =	shalt  }
0x87: {  	_ =	shalt  }
.Lfunc_end0:
.L_simem_size_0:
called_computation_lowered:
.L_overlay_start_0:
0x88: {  	s2 =	sld [smem:$0x3FD9]  }
0x89: {  	s3 =	sld [smem:$0x3FFE];
	_ =	sdelay $0x1  }
0x8a: {  	s1 =	srdreg.scid  }
0x8b: {  	s0 =	sand.u32 $0x1, s1  }
0x8c: {  	s17 =	sshll.u32 s0, $0xA;
	s2 =	sadd.s32 s3, s2  }
0x8d: {  	s2 =	sadd.s32 s2, s17  }
0x8e: {  	[smem:$0x3FC4] =	sst s2  }
0x8f: {  	_ = 	snop  }
0x90: {  	s2 =	sld [smem:$0x3FC8];
	(tm) =	ssettm $0x1  }
0x91: {  	s18 =	sld [smem:$0x3FFB];
	_ =	sdelay $0x3  }
0x92: {  	_ =	strace s18  }
0x93: {  	s3 =	sld [smem:$0x3FFC];
	_ =	sdelay $0x3  }
0x94: {  	_ =	strace s3  }
0x95: {  	s3 =	sld [smem:$0x3FFD];
	_ =	sdelay $0x3  }
0x96: {  	_ =	strace s3  }
0x97: {  	_ =	strace $0x8FFFFFFF  }
0x98: {  	s19 =	sld [smem:$0x3FDB];
	_ =	sdelay $0x1  }
0x99: {  	s4 =	simm.s32 $_scs_section_size  }
0x9a: {  	s5 =	simm.s32 $_size__tile_overlayer_lowered;
	s6 =	simm.s32 $_tile_overlayer_lowered  }
0x9b: {  	s22 =	simm.s32 $0x1BFF;
	s21 =	sshll.u32 s6, $0x1;
	s3 =	sadd.s32 s4, s19  }
0x9c: {  	s7 =	simm.s32 $0x0;
	s20 =	sshll.u32 s5, $0x1;
	s5 =	sadd.s32 s21, s3  }
0x9d: {  	[timem:s7], [sflag:s22] =	dma.local [hbm:s5], s20  }
0x9e: {  	_ =	swait.ge [sflag:s22], s20  }
0x9f: {  	s4 =	ssub.s32 $0x0, s20;
	[sflag:s22] =	ssyncset.done $0x0  }
0xa0: {  	[sflag:s22] =	ssyncadd.s32 s4;
	_ =	sdelay $0x1  }
0xa1: {  	s23 =	simm.s32 $0x1B8B  }
0xa2: {  	_ =	swait.ge [sflag:s23], $0x1  }
0xa3: {  	[sflag:s23] =	ssyncset.done $0x0  }
0xa4: {  	s25 =	simm.s32 $0x1B8E;
	s24 =	sld [smem:$0x3FFE];
	[sflag:s23] =	ssyncadd.s32 $0xFFFFFFFF  }
0xa5: {  	s26 =	simm.s32 $execute0_lowered;
	[smem:$0x3FD2] =	sst s25  }
0xa6: {  	s5 =	sshll.u32 s26, $0x1;
	_ =	strace $0x80000046;
	[dreg:$0x1] =	wrdreg $0xFFFFFFFF  }
0xa7: {  	s28 =	simm.s32 $_size_execute0_lowered;
	s3 =	sadd.s32 s3, s5;
	[dreg:$0x0] =	wrdreg $0x0  }
0xa8: {  	s5 =	sshll.u32 s28, $0x1;
	[dreg:$0x2] =	wrdreg s3  }
0xa9: {  	[dreg:$0x3] =	wrdreg s5  }
0xaa: {  	[dreg:$0x4] =	wrdreg $0xC0  }
0xab: {  	_ =	task [dreg:s7], $0x5FFFF  }
0xac: {  	[dreg:$0x1] =	wrdreg $0xFFFFFFFF  }
0xad: {  	[dreg:$0x0] =	wrdreg $0x60  }
0xae: {  	[dreg:$0x2] =	wrdreg s24  }
0xaf: {  	[dreg:$0x3] =	wrdreg s2  }
0xb0: {  	[dreg:$0x4] =	wrdreg $0x9  }
0xb1: {  	_ =	task.clear_ibuf [dreg:s7], $0x5FFFF;
	_ =	strace $0x90000046  }
0xb2: {  	s29 =	simm.s32 $0x9;
	_ =	strace $0x80000048  }
0xb3: {  	_ =	swait.ge [sflag:s29], $0x1  }
0xb4: {  	[sflag:s29] =	ssyncadd.s32 $0xFFFFFFFF  }
0xb5: {  	_ =	strace $0x90000048  }
0xb6: {  	_ =	sfence  }
0xb7: {  	s30 =	sld [smem:$0x0];
	_ =	sdelay $0x2  }
0xb8: {  	s31 =	sshll.u32 s1, $0xD;
	s1 =	sshrl.u32 s1, $0x2  }
0xb9: {  	s3 =	sand.u32 $0x4000, s31;
	s1 =	sadd.s32 s1, s30  }
0xba: {  	s0 =	sor.u32 s3, s0;
	s1 =	sshll.u32 s1, $0x11  }
0xbb: {  	s0 =	sor.u32 s1, s0  }
0xbc: {  	s0 =	sadd.s32 $0x8F2B, s0  }
0xbd: {  	[sflag:s0] =	ssyncadd.remote.s32 $0x1  }
0xbe: {  	_ =	sfence.sel $0xFFFF  }
0xbf: {  	[dreg:$0x0] =	wrdreg $0xFFFFFFFF;
	(pc) =	sbr.abs _section_cstart, $3  }
0xc0: {  	[dreg:$0x1] =	wrdreg $0xFFFFFFFF  }
0xc1: {  	_ =	task.clear_ibuf [dreg:s7], $0x2FFFF;
	_ =	strace $0x9FFFFFFF  }
0xc2: {  	(tm) =	ssettm $0x7FFFFFFF  }
0xc3: {  	_ =	shalt  }
tec
execute0_lowered:
.L_overlay_start_1:
0x0: {  	(tag) =	ssettag $0x1  }
0x1: {  	s4 =	rddreg [dreg:$0x0]  }
0x2: {  	s1 =	srdreg.scid;
	s0 =	stileid.u32  }
0x3: {  	s2 =	rddreg [dreg:$0x1];
	s3 =	simm.s32 $0x0;
	s9 =	simm.s32 $0x6400  }
0x4: {  	s10 =	simm.s32 $0x7800;
	s11 =	simm.s32 $0x50;
	s12 =	simm.s32 $0x8C00  }
0x5: {  	s13 =	simm.s32 $0x78;
	s14 =	simm.s32 $0xA000;
	s15 =	simm.s32 $0xA0  }
0x6: {  	s16 =	simm.s32 $0xB400;
	s17 =	simm.s32 $0xC800;
	s18 =	simm.s32 $0xDC00  }
0x7: {  	s19 =	simm.s32 $0xF000;
	s20 =	simm.s32 $0x10400;
	s21 =	simm.s32 $0x11800  }
0x8: {  	s22 =	simm.s32 $0x1;
	s23 =	simm.s32 $0x2;
	s24 =	simm.s32 $0x12C00  }
0x9: {  	s25 =	simm.s32 $0x0;
	s5 =	sand.u32 $0x1, s1;
	s6 =	sshll.u32 s0, $0x1  }
0xa: {  	[smem:$0x7FF] =	sst s3;
	s6 =	sor.u32 s5, s6;
	s5 =	ssub.s32 $0x2, s5  }
0xb: {  	s7 =	smul.u32 $0xC80, s6;
	s6 =	sshll.u32 s6, $0xB;
	s8 =	sshrl.u32 s5, $0x1  }
0xc: {  	_ =	strace $0x80000047;
	s6 =	sadd.s32 s6, s4;
	s8 =	ssub.s32 s5, s8  }
0xd: {  	s7 =	sadd.s32 s7, s4;
	s5 =	sadd.s32 $0x19C00, s6;
	s6 =	smax.u32 s8, $0x1  }
0xe: {  	s8 =	simm.s32 $0x28;
	s4 =	sadd.s32 $0xC00, s7;
	s7 =	simm.s32 $0x3  }
.LBB2_1:
0xf: {  	[tilespmem:s3], [sflag:$0x3] =	stream.linear.gather [hbm4b:s4+s3], $0x6400, $0x38;
	[tilespmem:$0x16C00] =	vst v63  }
0x10: {  	_ =	swait.ge [sflag:s7], $0x6400  }
0x11: {  	[sflag:s7] =	ssyncset.done $0x0  }
0x12: {  	[sflag:s7] =	ssyncadd.s32 $0xFFFF9C00  }
0x13: {  	[tilespmem:s9], [sflag:$0x1] =	stream.indirect.gather [hbm4b:s2+s8], $0x80, s3, s8, $0xb8;
	[tilespmem:$0x16C00] =	vst v63  }
0x14: {  	_ = 	snop  }
0x15: {  	[tilespmem:s10], [sflag:$0x1] =	stream.indirect.gather [hbm4b:s2+s8], $0x80, s8, s8, $0xb8;
	[tilespmem:$0x16C00] =	vst v63  }
0x16: {  	_ = 	snop  }
0x17: {  	[tilespmem:s12], [sflag:$0x1] =	stream.indirect.gather [hbm4b:s2+s8], $0x80, s11, s8, $0xb8;
	[tilespmem:$0x16C00] =	vst v63  }
0x18: {  	_ = 	snop  }
0x19: {  	[tilespmem:s14], [sflag:$0x1] =	stream.indirect.gather [hbm4b:s2+s8], $0x80, s13, s8, $0xb8;
	[tilespmem:$0x16C00] =	vst v63  }
0x1a: {  	s26 =	simm.s32 $0x0  }
0x1b: {  	[tilespmem:s16], [sflag:$0x1] =	stream.indirect.gather [hbm4b:s2+s8], $0x80, s15, s8, $0xb8;
	[tilespmem:$0x16C00] =	vst v63  }
.LBB2_2:
0x1c: {  	s28 =	sshllo.u32 s26, $0x1  }
0x1d: {  	s29 =	smul.u32 $0x320, s28;
	_ =	sdelay $0x1  }
0x1e: {  	s29 =	sshra.s32 s29, $0x2  }
0x1f: {  	[tilespmem:s17], [sflag:$0x2] =	stream.indirect.gather [hbm4b:s2+s8], $0x80, s29, s8, $0xb8;
	[tilespmem:$0x16C00] =	vst v63  }
0x20: {  	s30 =	sadd.s32 $0x28, s29  }
0x21: {  	[tilespmem:s18], [sflag:$0x2] =	stream.indirect.gather [hbm4b:s2+s8], $0x80, s30, s8, $0xb8;
	[tilespmem:$0x16C00] =	vst v63  }
0x22: {  	s30 =	sadd.s32 $0x50, s29  }
0x23: {  	[tilespmem:s19], [sflag:$0x2] =	stream.indirect.gather [hbm4b:s2+s8], $0x80, s30, s8, $0xb8;
	[tilespmem:$0x16C00] =	vst v63  }
0x24: {  	s30 =	sadd.s32 $0x78, s29  }
0x25: {  	[tilespmem:s20], [sflag:$0x2] =	stream.indirect.gather [hbm4b:s2+s8], $0x80, s30, s8, $0xb8;
	[tilespmem:$0x16C00] =	vst v63  }
0x26: {  	s29 =	sadd.s32 $0xA0, s29  }
0x27: {  	[tilespmem:s21], [sflag:$0x2] =	stream.indirect.gather [hbm4b:s2+s8], $0x80, s29, s8, $0xb8;
	[tilespmem:$0x16C00] =	vst v63  }
0x28: {  	_ =	swait.ge [sflag:s22], $0x1400  }
0x29: {  	[sflag:s22] =	ssyncset.done $0x0  }
0x2a: {  	[sflag:s22] =	ssyncadd.s32 $0xFFFFEC00  }
0x2b: {  	_ =	swait.ge [sflag:s22], $0x1400  }
0x2c: {  	[sflag:s22] =	ssyncset.done $0x0  }
0x2d: {  	[sflag:s22] =	ssyncadd.s32 $0xFFFFEC00  }
0x2e: {  	_ =	swait.ge [sflag:s22], $0x1400  }
0x2f: {  	[sflag:s22] =	ssyncset.done $0x0  }
0x30: {  	[sflag:s22] =	ssyncadd.s32 $0xFFFFEC00  }
0x31: {  	_ =	swait.ge [sflag:s22], $0x1400  }
0x32: {  	[sflag:s22] =	ssyncset.done $0x0  }
0x33: {  	[sflag:s22] =	ssyncadd.s32 $0xFFFFEC00  }
0x34: {  	_ =	swait.ge [sflag:s22], $0x1400  }
0x35: {  	[sflag:s22] =	ssyncset.done $0x0  }
0x36: {  	s31 =	simm.s32 $0x0;
	[sflag:s22] =	ssyncadd.s32 $0xFFFFEC00  }
0x37: {  	v0 =	vld [tilespmem:s31+$0x6470]  }
0x38: {  	v1 =	vld [tilespmem:s31+$0x6400]  }
0x39: {  	v3 =	vld [tilespmem:s31+$0x6410]  }
0x3a: {  	v12 =	vld [tilespmem:s31+$0x6420]  }
0x3b: {  	v11 =	vld [tilespmem:s31+$0x6430]  }
0x3c: {  	v2 =	vimm.f32 $0.0e+00;
	v7 =	vimm.f32 $0.0e+00;
	v8 =	vld [tilespmem:s31+$0x6440]  }
0x3d: {  	v10 =	vimm.f32 $0.0e+00;
	v5 =	vld [tilespmem:s31+$0x6450];
	v0 =	vadd.f32 v0, v2;
	v6 =	vadd.f32 v1, v2  }
0x3e: {  	s30 =	simm.s32 $0x400;
	s29 =	simm.s32 $0x80;
	v9 =	vld [tilespmem:s31+$0x6460];
	v4 =	vadd.f32 v3, v2;
	v3 =	vimm.f32 $0.0e+00;
	v1 =	vimm.f32 $0.0e+00  }
.LBB2_3:
0x3f: {  	p0 =	sne.s32 s30, $0x18E00;
	v13 =	vld [tilespmem:s29+$0x6470];
	v2 =	vadd.f32 v12, v2  }
0x40: {  	v14 =	vld [tilespmem:s29+$0x6400];
	v7 =	vadd.f32 v11, v7  }
0x41: {  	v15 =	vld [tilespmem:s29+$0x6410];
	v10 =	vadd.f32 v8, v10  }
.Ltmp0:
0x42: {  	v12 =	vld [tilespmem:s29+$0x6420];
	v3 =	vadd.f32 v5, v3;
	(pc) =	sbr.rel @p0 .LBB2_3-.Ltmp0, $4  }
0x43: {  	v11 =	vld [tilespmem:s29+$0x6430];
	v1 =	vadd.f32 v9, v1  }
0x44: {  	v8 =	vld [tilespmem:s29+$0x6440];
	v0 =	vadd.f32 v13, v0  }
0x45: {  	v6 =	vadd.f32 v14, v6;
	v5 =	vld [tilespmem:s29+$0x6450]  }
0x46: {  	v4 =	vadd.f32 v15, v4;
	v9 =	vld [tilespmem:s29+$0x6460];
	s29 =	sshra.s32 s30, $0x2;
	s30 =	sadd.s32 $0x200, s30  }
0x47: {  	v13 =	vld [tilespmem:s29+$0x6400]  }
0x48: {  	v14 =	vld [tilespmem:s29+$0x6410]  }
0x49: {  	v15 =	vld [tilespmem:s29+$0x6420]  }
0x4a: {  	v2 =	vadd.f32 v12, v2;
	v12 =	vld [tilespmem:s29+$0x6450]  }
0x4b: {  	v7 =	vadd.f32 v11, v7;
	v11 =	vld [tilespmem:s29+$0x6460]  }
0x4c: {  	v16 =	vld [tilespmem:s29+$0x6430];
	v8 =	vadd.f32 v8, v10;
	v6 =	vadd.f32 v13, v6  }
0x4d: {  	v17 =	vld [tilespmem:s29+$0x6440];
	v3 =	vadd.f32 v5, v3;
	v4 =	vadd.f32 v14, v4  }
0x4e: {  	v10 =	vld [tilespmem:s29+$0x6470];
	s29 =	sshll.u32 s26, $0x8;
	v1 =	vadd.f32 v9, v1;
	v2 =	vadd.f32 v15, v2;
	v6 =	vmul.f32 $4.999999890e-03, v6  }
0x4f: {  	s29 =	sand.u32 $0x3FFFFF00, s29;
	v3 =	vadd.f32 v12, v3;
	v4 =	vmul.f32 $4.999999890e-03, v4  }
0x50: {  	v1 =	vadd.f32 v11, v1;
	v2 =	vmul.f32 $4.999999890e-03, v2;
	[tilespmem:s29+$0x12C00] =	vst v6  }
0x51: {  	v5 =	vadd.f32 v16, v7;
	v3 =	vmul.f32 $4.999999890e-03, v3;
	[tilespmem:s29+$0x12C10] =	vst v4  }
0x52: {  	v7 =	vadd.f32 v17, v8;
	v1 =	vmul.f32 $4.999999890e-03, v1;
	[tilespmem:s29+$0x12C20] =	vst v2  }
0x53: {  	p0 =	seq.s32 s26, $0x3F;
	v0 =	vadd.f32 v10, v0;
	v4 =	vmul.f32 $4.999999890e-03, v5;
	[tilespmem:s29+$0x12C50] =	vst v3  }
0x54: {  	s30 =	smul.u32 @!p0 $0x640, s26;
	v2 =	vmul.f32 $4.999999890e-03, v7;
	[tilespmem:s29+$0x12C60] =	vst v1  }
0x55: {  	v0 =	vmul.f32 $4.999999890e-03, v0;
	[tilespmem:s29+$0x12C30] =	vst v4  }
0x56: {  	s30 =	sshra.s32 @!p0 s30, $0x2;
	[tilespmem:s29+$0x12C40] =	vst v2  }
0x57: {  	s31 =	simm.s32 @!p0 $0x28;
	s1 =	simm.s32 @!p0 $0x6400;
	[tilespmem:s29+$0x12C70] =	vst v0;
	s29 =	sadd.s32 @!p0 $0x190, s30  }
0x58: {  	[tilespmem:s1], [sflag:$0x1] =	stream.indirect.gather @!p0 [hbm4b:s2+s31], $0x80, s29, s31, $0xb8;
	[tilespmem:$0x16C00] =	vst v63  }
0x59: {  	s1 =	sadd.s32 @!p0 $0x1B8, s30;
	s29 =	simm.s32 @!p0 $0x7800  }
0x5a: {  	[tilespmem:s29], [sflag:$0x1] =	stream.indirect.gather @!p0 [hbm4b:s2+s31], $0x80, s1, s31, $0xb8;
	[tilespmem:$0x16C00] =	vst v63  }
0x5b: {  	s1 =	sadd.s32 @!p0 $0x1E0, s30;
	s29 =	simm.s32 @!p0 $0x8C00  }
0x5c: {  	[tilespmem:s29], [sflag:$0x1] =	stream.indirect.gather @!p0 [hbm4b:s2+s31], $0x80, s1, s31, $0xb8;
	[tilespmem:$0x16C00] =	vst v63  }
0x5d: {  	s1 =	sadd.s32 @!p0 $0x208, s30;
	s29 =	simm.s32 @!p0 $0xA000  }
0x5e: {  	[tilespmem:s29], [sflag:$0x1] =	stream.indirect.gather @!p0 [hbm4b:s2+s31], $0x80, s1, s31, $0xb8;
	[tilespmem:$0x16C00] =	vst v63  }
0x5f: {  	s1 =	sadd.s32 @!p0 $0x230, s30;
	s29 =	simm.s32 @!p0 $0xB400  }
0x60: {  	[tilespmem:s29], [sflag:$0x1] =	stream.indirect.gather @!p0 [hbm4b:s2+s31], $0x80, s1, s31, $0xb8;
	[tilespmem:$0x16C00] =	vst v63  }
0x61: {  	_ =	swait.ge [sflag:s23], $0x1400  }
0x62: {  	[sflag:s23] =	ssyncset.done $0x0  }
0x63: {  	[sflag:s23] =	ssyncadd.s32 $0xFFFFEC00  }
0x64: {  	_ =	swait.ge [sflag:s23], $0x1400  }
0x65: {  	[sflag:s23] =	ssyncset.done $0x0  }
0x66: {  	[sflag:s23] =	ssyncadd.s32 $0xFFFFEC00  }
0x67: {  	_ =	swait.ge [sflag:s23], $0x1400  }
0x68: {  	[sflag:s23] =	ssyncset.done $0x0  }
0x69: {  	[sflag:s23] =	ssyncadd.s32 $0xFFFFEC00  }
0x6a: {  	_ =	swait.ge [sflag:s23], $0x1400  }
0x6b: {  	[sflag:s23] =	ssyncset.done $0x0  }
0x6c: {  	[sflag:s23] =	ssyncadd.s32 $0xFFFFEC00  }
0x6d: {  	_ =	swait.ge [sflag:s23], $0x1400  }
0x6e: {  	[sflag:s23] =	ssyncset.done $0x0  }
0x6f: {  	s31 =	simm.s32 $0x0;
	[sflag:s23] =	ssyncadd.s32 $0xFFFFEC00  }
0x70: {  	v0 =	vld [tilespmem:s31+$0xC870]  }
0x71: {  	v1 =	vld [tilespmem:s31+$0xC800]  }
0x72: {  	v3 =	vld [tilespmem:s31+$0xC810]  }
0x73: {  	v12 =	vld [tilespmem:s31+$0xC820]  }
0x74: {  	v11 =	vld [tilespmem:s31+$0xC830]  }
0x75: {  	v10 =	vimm.f32 $0.0e+00;
	v2 =	vimm.f32 $0.0e+00;
	v8 =	vld [tilespmem:s31+$0xC840]  }
0x76: {  	v7 =	vimm.f32 $0.0e+00;
	v5 =	vld [tilespmem:s31+$0xC850];
	v0 =	vadd.f32 v0, v2;
	v6 =	vadd.f32 v1, v2  }
0x77: {  	s30 =	simm.s32 $0x400;
	s29 =	simm.s32 $0x80;
	v9 =	vld [tilespmem:s31+$0xC860];
	v4 =	vadd.f32 v3, v2;
	v3 =	vimm.f32 $0.0e+00;
	v1 =	vimm.f32 $0.0e+00  }
.LBB2_5:
0x78: {  	p0 =	sne.s32 s30, $0x18E00;
	v13 =	vld [tilespmem:s29+$0xC870];
	v2 =	vadd.f32 v12, v2  }
0x79: {  	v14 =	vld [tilespmem:s29+$0xC800];
	v7 =	vadd.f32 v11, v7  }
0x7a: {  	v15 =	vld [tilespmem:s29+$0xC810];
	v10 =	vadd.f32 v8, v10  }
.Ltmp1:
0x7b: {  	v12 =	vld [tilespmem:s29+$0xC820];
	v3 =	vadd.f32 v5, v3;
	(pc) =	sbr.rel @p0 .LBB2_5-.Ltmp1, $4  }
0x7c: {  	v11 =	vld [tilespmem:s29+$0xC830];
	v1 =	vadd.f32 v9, v1  }
0x7d: {  	v8 =	vld [tilespmem:s29+$0xC840];
	v0 =	vadd.f32 v13, v0  }
0x7e: {  	v6 =	vadd.f32 v14, v6;
	v5 =	vld [tilespmem:s29+$0xC850]  }
0x7f: {  	v4 =	vadd.f32 v15, v4;
	v9 =	vld [tilespmem:s29+$0xC860];
	s29 =	sshra.s32 s30, $0x2;
	s30 =	sadd.s32 $0x200, s30  }
0x80: {  	v13 =	vld [tilespmem:s29+$0xC800]  }
0x81: {  	v14 =	vld [tilespmem:s29+$0xC810]  }
0x82: {  	v15 =	vld [tilespmem:s29+$0xC820]  }
0x83: {  	v16 =	vld [tilespmem:s29+$0xC830]  }
0x84: {  	v17 =	vld [tilespmem:s29+$0xC840]  }
0x85: {  	v2 =	vadd.f32 v12, v2;
	v57 =	vld [tilespmem:s29+$0xC850];
	v6 =	vadd.f32 v13, v6  }
0x86: {  	v59 =	vld [tilespmem:s29+$0xC870];
	v7 =	vadd.f32 v11, v7;
	v4 =	vadd.f32 v14, v4  }
0x87: {  	v58 =	vld [tilespmem:s29+$0xC860];
	s1 =	sshll.u32 s28, $0x7;
	v8 =	vadd.f32 v8, v10;
	v2 =	vadd.f32 v15, v2;
	v6 =	vmul.f32 $4.999999890e-03, v6  }
0x88: {  	s1 =	sand.u32 $0x3FFFFF80, s1;
	v3 =	vadd.f32 v5, v3;
	v60 =	vadd.f32 v16, v7;
	v4 =	vmul.f32 $4.999999890e-03, v4  }
0x89: {  	v61 =	vadd.f32 v17, v8;
	v2 =	vmul.f32 $4.999999890e-03, v2;
	[tilespmem:s1+$0x12C00] =	vst v6  }
0x8a: {  	s26 =	sadd.s32 $0x1, s26;
	v1 =	vadd.f32 v9, v1;
	v3 =	vadd.f32 v57, v3;
	v62 =	vmul.f32 $4.999999890e-03, v60;
	[tilespmem:s1+$0x12C10] =	vst v4  }
0x8b: {  	p0 =	sne.s32 s26, $0x40;
	v0 =	vadd.f32 v59, v0;
	v63 =	vmul.f32 $4.999999890e-03, v61;
	[tilespmem:s1+$0x12C20] =	vst v2  }
.Ltmp2:
0x8c: {  	v1 =	vadd.f32 v58, v1;
	v3 =	vmul.f32 $4.999999890e-03, v3;
	[tilespmem:s1+$0x12C30] =	vst v62;
	(pc) =	sbr.rel @p0 .LBB2_2-.Ltmp2, $4  }
0x8d: {  	v0 =	vmul.f32 $4.999999890e-03, v0;
	[tilespmem:s1+$0x12C40] =	vst v63  }
0x8e: {  	v1 =	vmul.f32 $4.999999890e-03, v1;
	[tilespmem:s1+$0x12C50] =	vst v3  }
0x8f: {  	[tilespmem:s1+$0x12C70] =	vst v0  }
0x90: {  	[tilespmem:s1+$0x12C60] =	vst v1  }
0x91: {  	s25 =	sadd.s32 $0x1, s25  }
0x92: {  	p0 =	sne.s32 s25, s6  }
.Ltmp3:
0x93: {  	_ = 	snop;
	(pc) =	sbr.rel @p0 .LBB2_1-.Ltmp3, $4  }
0x94: {  	[hbm4b:s5+s3] =	stream.linear.scatter [tilespmem:s24], [sflag:$0x3], $0x4000, $0x38;
	[tilespmem:$0x16C00] =	vst v63  }
0x95: {  	_ =	swait.ge [sflag:s7], $0x4000  }
0x96: {  	[sflag:s7] =	ssyncset.done $0x0  }
0x97: {  	[sflag:s7] =	ssyncadd.s32 $0xFFFFC000  }
0x98: {  	_ =	sfence.sel $0x180000  }
0x99: {  	[bflag:$0x0] =	sbarrier.arrive $0xFFFF  }
0x9a: {  	_ =	strace $0x90000047  }
0x9b: {  	[bflag:$0x2] =	sbarrier.arrive $0xFFFF  }
0x9c: {  	p0 =	sne.s32 s0, $0x0;
	s0 =	rddreg [dreg:$0x2]  }
0x9d: {  	s0 =	sadd.s32 @!p0 $0x100000, s0  }
0x9e: {  	[sflag:s0] =	ssyncadd.tile.s32 @!p0 $0x1;
	_ =	shalt  }
.Lfunc_end2:
_tile_overlayer_lowered:
.L_overlay_start_2:
0x9f: {  	(tag) =	ssettag $0x2  }
0xa0: {  	s0 =	rddreg [dreg:$0x0];
	s2 =	stileid.u32  }
0xa1: {  	s1 =	rddreg [dreg:$0x1];
	p0 =	sne.s32 s2, $0x0  }
0xa2: {  	s3 =	rddreg [dreg:$0x2];
	[bflag:$0x3] =	sbarrier.arrive $0xFFFF;
	s2 =	simm.s32 @!p0 $0x1C03  }
0xa3: {  	[timem:s3], [sflag:s2] =	dma.local @!p0 [hbm:s0], s1  }
0xa4: {  	s0 =	simm.s32 @!p0 $0x3  }
0xa5: {  	_ =	swait.ge @!p0 [sflag:s0], s1  }
0xa6: {  	s1 =	ssub.s32 @!p0 $0x0, s1;
	[sflag:s0] =	ssyncset.done @!p0 $0x0  }
0xa7: {  	[sflag:s0] =	ssyncadd.s32 @!p0 s1  }
0xa8: {  	[bflag:$0x3] =	sbarrier.arrive $0xFFFF  }
0xa9: {  	_ =	shalt  }

</sc_bundles>
